<compile_context>
chip_gen: v7x
topology: tpu7x:2x2x1
jax: 0.10.2.dev20260603
libtpu: 0.0.44.dev20260713+nightly
codegen_flags: <defaults>
</compile_context>

<pallas_src>
import functools

import jax
import jax.numpy as jnp
from jax import lax
from jax.experimental import pallas as pl
from jax.experimental.pallas import tpu as pltpu
from jax.experimental.pallas import tpu_sc as plsc

_SEQ = 1024
_D = 64
_NP = 128
_NK = 15
_PH_PER_W = _NP // 32
_ROWS_PER_PH = _SEQ // _NP
_TW = 2 * _SEQ


def _tc_phase_windows(fut):

    def body(fut_ref, out_ref):
        p = pl.program_id(0)
        rolled = pltpu.roll(fut_ref[:], lax.rem(_TW - p, _TW), 1)
        for dt in range(8):
            for kk in range(_NK):
                out_ref[0, dt, kk] = rolled[8 * dt:8 * dt + 8,
                                            _NP * kk:_NP * (kk + 1)]

    return pl.pallas_call(
        body,
        grid=(_NP,),
        in_specs=[pl.BlockSpec((_D, _TW), lambda p: (0, 0))],
        out_specs=pl.BlockSpec((1, 8, _NK, 8, _NP), lambda p: (p, 0, 0, 0, 0)),
        out_shape=jax.ShapeDtypeStruct((_NP, 8, _NK, 8, _NP), jnp.float32),
    )(fut)


def _sc_toeplitz(s_tbl):
    mesh = plsc.VectorSubcoreMesh(core_axis_name="c", subcore_axis_name="s",
                                  num_cores=2)

    @functools.partial(
        pl.kernel,
        mesh=mesh,
        out_type=jax.ShapeDtypeStruct((_SEQ, 8, 8, 8, _NP), jnp.float32),
        scratch_types=[
            pltpu.VMEM((2, 4, _NK, 8, _NP), jnp.float32),
            pltpu.SemaphoreType.DMA,
            pltpu.SemaphoreType.DMA,
        ],
    )
    def k(s_hbm, out_hbm, slab, sem, sem_l):
        c = lax.axis_index("c")
        s = lax.axis_index("s")
        wid = c * 16 + s
        n_grp = _PH_PER_W * 2

        def load_args(g, buf):
            p = wid * _PH_PER_W + lax.div(g, 2)
            h = lax.rem(g, 2)
            return s_hbm.at[p, pl.ds(4 * h, 4)], slab.at[buf]

        src0, dst0 = load_args(0, 0)
        pltpu.async_copy(src0, dst0, sem_l)

        def group_body(g, carry):
            p = wid * _PH_PER_W + lax.div(g, 2)
            h = lax.rem(g, 2)
            buf = lax.rem(g, 2)
            src, dst = load_args(g, buf)
            pltpu.make_async_copy(src, dst, sem_l).wait()

            @pl.when(g < n_grp - 1)
            def _():
                src2, dst2 = load_args(g + 1, 1 - buf)
                pltpu.async_copy(src2, dst2, sem_l)

            cps = []
            for m in range(_ROWS_PER_PH):
                i = _SEQ - 1 - _NP * m - p
                cps.append(
                    pltpu.async_copy(
                        slab.at[buf, :, pl.ds(m, 8)],
                        out_hbm.at[i, pl.ds(4 * h, 4)],
                        sem,
                    )
                )
            for cp in cps:
                cp.wait()
            return carry

        lax.fori_loop(0, n_grp, group_body, 0)

    return k(s_tbl)


def kernel(seq_len, relative_position_matrix):
    del seq_len
    fu = jnp.flip(relative_position_matrix, axis=0)[_SEQ:3 * _SEQ, :]
    s_tbl = _tc_phase_windows(fu.T)
    out5 = _sc_toeplitz(s_tbl)
    return out5.transpose(0, 2, 4, 1, 3).reshape(_SEQ, _SEQ, _D)

# --- scband reference (transcript-rebuilt; emitter-appended) ---
"""Pipeline reference for scband-relative-position-encoding-31044023615940 (READ-ONLY COPY).

The authoritative reference and input builder live on the scoring server;
editing this copy changes nothing except your own understanding.
"""

import jax, jax.numpy as jnp
import numpy as np

MAX_LEN = 2048
D_MODEL = 64
SEQ_LEN = 1024


def setup_inputs(seed: int = 0) -> dict:
    key = jax.random.key(seed)
    relative_position_matrix = jax.random.normal(
        key, (2 * MAX_LEN - 1, D_MODEL), dtype=jnp.float32
    )
    return {
        "seq_len": SEQ_LEN,
        "relative_position_matrix": relative_position_matrix,
    }


def reference(seq_len, relative_position_matrix):
    max_len = (relative_position_matrix.shape[0] + 1) // 2
    range_vec = jnp.arange(SEQ_LEN) + (seq_len - SEQ_LEN)
    relative_positions = range_vec[:, None] - range_vec[None, :]
    relative_positions = relative_positions + max_len - 1
    r = jnp.take(relative_position_matrix, relative_positions, axis=0)
    return r

if __name__ == "__main__":
    import jax
    _d = setup_inputs()
    print(jax.jit(kernel)(*tuple(_d.values())))

</pallas_src>

<mosaic_0001>
#map = affine_map<(d0, d1) -> (0, 0, 0, 0, 0)>
module attributes {stable_mosaic.version = 14 : i64} {
  func.func @k(%arg0: i32, %arg1: i32, %arg2: memref<128x8x15x8x128xf32, #tpu.memory_space<hbm>>, %arg3: memref<1024x8x8x8x128xf32, #tpu.memory_space<hbm>>, %arg4: memref<2x4x15x8x128xf32, #tpu.memory_space<vmem>>, %arg5: memref<!tpu.dma_semaphore, #tpu.memory_space<semaphore_mem>>, %arg6: memref<!tpu.dma_semaphore, #tpu.memory_space<semaphore_mem>>) attributes {dimension_semantics = [#tpu.dimension_semantics<core_parallel>, #tpu.dimension_semantics<subcore_parallel>], iteration_bounds = array<i64: 2, 16>, scalar_prefetch = 0 : i64, scratch_operands = 3 : i64, tpu.core_type = #tpu.core_type<sc_vector_subcore>, window_params = [{transform_indices = #map}, {transform_indices = #map}]} {
    %mul3A = arith.constant 16 : i32
    %mul3A_0 = arith.muli %arg0, %mul3A : i32
    %add3A = arith.addi %mul3A_0, %arg1 : i32
    %mul3A_1 = arith.constant 4 : i32
    %mul3A_2 = arith.muli %add3A, %mul3A_1 : i32
    %div3A = arith.constant 0 : i32
    %div3A_3 = arith.constant 2 : i32
    %div3A_4 = arith.divsi %div3A, %div3A_3 : i32
    %add3A_5 = arith.addi %mul3A_2, %div3A_4 : i32
    %rem3A = arith.constant 0 : i32
    %rem3A_6 = arith.constant 2 : i32
    %rem3A_7 = arith.remsi %rem3A, %rem3A_6 : i32
    %mul3A_8 = arith.constant 4 : i32
    %mul3A_9 = arith.muli %mul3A_8, %rem3A_7 : i32
    %dma_start3A = arith.constant 0 : i32
    %dma_start3A_10 = arith.constant 0 : i32
    %dma_start3A_11 = arith.constant 0 : i32
    %dma_start3A_12 = arith.constant 0 : i32
    %dma_start3A_13 = arith.constant 0 : i32
    %dma_start3A_14 = tpu.memref_slice %arg4[%dma_start3A, %dma_start3A_10, %dma_start3A_11, %dma_start3A_12, %dma_start3A_13] : memref<2x4x15x8x128xf32, #tpu.memory_space<vmem>> -> memref<1x4x15x8x128xf32, #tpu.memory_space<vmem>>
    %dma_start3A_15 = tpu.memref_squeeze %dma_start3A_14 : memref<1x4x15x8x128xf32, #tpu.memory_space<vmem>> -> memref<4x15x8x128xf32, #tpu.memory_space<vmem>>
    %dma_start3A_16 = arith.constant 0 : i32
    %dma_start3A_17 = arith.constant 0 : i32
    %dma_start3A_18 = arith.constant 0 : i32
    %dma_start3A_19 = tpu.memref_slice %arg2[%add3A_5, %mul3A_9, %dma_start3A_16, %dma_start3A_17, %dma_start3A_18] : memref<128x8x15x8x128xf32, #tpu.memory_space<hbm>> -> memref<1x4x15x8x128xf32, #tpu.memory_space<hbm>>
    %dma_start3A_20 = tpu.memref_squeeze %dma_start3A_19 : memref<1x4x15x8x128xf32, #tpu.memory_space<hbm>> -> memref<4x15x8x128xf32, #tpu.memory_space<hbm>>
    %dma_start3A_21 = arith.constant 0 : i32
    %dma_start3A_22 = arith.constant 0 : i32
    %dma_start3A_23 = arith.constant 0 : i32
    %dma_start3A_24 = arith.constant 0 : i32
    %dma_start3A_25 = tpu.memref_slice %arg4[%dma_start3A, %dma_start3A_21, %dma_start3A_22, %dma_start3A_23, %dma_start3A_24] : memref<2x4x15x8x128xf32, #tpu.memory_space<vmem>> -> memref<1x4x15x8x128xf32, #tpu.memory_space<vmem>>
    %dma_start3A_26 = tpu.memref_squeeze %dma_start3A_25 : memref<1x4x15x8x128xf32, #tpu.memory_space<vmem>> -> memref<4x15x8x128xf32, #tpu.memory_space<vmem>>
    %dma_start3A_27 = arith.constant 0 : i32
    %dma_start3A_28 = arith.constant 0 : i32
    %dma_start3A_29 = arith.constant 0 : i32
    %dma_start3A_30 = tpu.memref_slice %arg2[%add3A_5, %mul3A_9, %dma_start3A_27, %dma_start3A_28, %dma_start3A_29] : memref<128x8x15x8x128xf32, #tpu.memory_space<hbm>> -> memref<1x4x15x8x128xf32, #tpu.memory_space<hbm>>
    %dma_start3A_31 = tpu.memref_squeeze %dma_start3A_30 : memref<1x4x15x8x128xf32, #tpu.memory_space<hbm>> -> memref<4x15x8x128xf32, #tpu.memory_space<hbm>>
    tpu.enqueue_dma source(%dma_start3A_31 : memref<4x15x8x128xf32, #tpu.memory_space<hbm>>) target(%dma_start3A_26 : memref<4x15x8x128xf32, #tpu.memory_space<vmem>>) target_semaphore(%arg6 : memref<!tpu.dma_semaphore, #tpu.memory_space<semaphore_mem>>)
    %scan3A = arith.constant 0 : i32
    %scan3A_32 = arith.constant 0 : i32
    %scan3A_33 = arith.constant 8 : i32
    %scan3A_34 = arith.addi %scan3A_32, %scan3A_33 : i32
    %scan3A_35 = arith.constant 1 : i32
    scf.for %scan3A_37 = %scan3A_32 to %scan3A_34 step %scan3A_35  : i32 {
      %mul3A_38 = arith.constant 4 : i32
      %mul3A_39 = arith.muli %add3A, %mul3A_38 : i32
      %div3A_40 = arith.constant 2 : i32
      %div3A_41 = arith.divsi %scan3A_37, %div3A_40 : i32
      %add3A_42 = arith.addi %mul3A_39, %div3A_41 : i32
      %rem3A_43 = arith.constant 2 : i32
      %rem3A_44 = arith.remsi %scan3A_37, %rem3A_43 : i32
      %rem3A_45 = arith.constant 2 : i32
      %rem3A_46 = arith.remsi %scan3A_37, %rem3A_45 : i32
      %mul3A_47 = arith.constant 4 : i32
      %mul3A_48 = arith.muli %add3A, %mul3A_47 : i32
      %div3A_49 = arith.constant 2 : i32
      %div3A_50 = arith.divsi %scan3A_37, %div3A_49 : i32
      %add3A_51 = arith.addi %mul3A_48, %div3A_50 : i32
      %rem3A_52 = arith.constant 2 : i32
      %rem3A_53 = arith.remsi %scan3A_37, %rem3A_52 : i32
      %mul3A_54 = arith.constant 4 : i32
      %mul3A_55 = arith.muli %mul3A_54, %rem3A_53 : i32
      %dma_wait3A = arith.constant 0 : i32
      %dma_wait3A_56 = arith.constant 0 : i32
      %dma_wait3A_57 = arith.constant 0 : i32
      %dma_wait3A_58 = arith.constant 0 : i32
      %dma_wait3A_59 = tpu.memref_slice %arg4[%rem3A_46, %dma_wait3A, %dma_wait3A_56, %dma_wait3A_57, %dma_wait3A_58] : memref<2x4x15x8x128xf32, #tpu.memory_space<vmem>> -> memref<1x4x15x8x128xf32, #tpu.memory_space<vmem>>
      %dma_wait3A_60 = tpu.memref_squeeze %dma_wait3A_59 : memref<1x4x15x8x128xf32, #tpu.memory_space<vmem>> -> memref<4x15x8x128xf32, #tpu.memory_space<vmem>>
      %dma_wait3A_61 = arith.constant 0 : i32
      %dma_wait3A_62 = arith.constant 0 : i32
      %dma_wait3A_63 = arith.constant 0 : i32
      %dma_wait3A_64 = tpu.memref_slice %arg2[%add3A_51, %mul3A_55, %dma_wait3A_61, %dma_wait3A_62, %dma_wait3A_63] : memref<128x8x15x8x128xf32, #tpu.memory_space<hbm>> -> memref<1x4x15x8x128xf32, #tpu.memory_space<hbm>>
      %dma_wait3A_65 = tpu.memref_squeeze %dma_wait3A_64 : memref<1x4x15x8x128xf32, #tpu.memory_space<hbm>> -> memref<4x15x8x128xf32, #tpu.memory_space<hbm>>
      %dma_wait3A_66 = arith.constant 0 : i32
      %dma_wait3A_67 = arith.constant 0 : i32
      %dma_wait3A_68 = arith.constant 0 : i32
      %dma_wait3A_69 = arith.constant 0 : i32
      %dma_wait3A_70 = tpu.memref_slice %arg4[%rem3A_46, %dma_wait3A_66, %dma_wait3A_67, %dma_wait3A_68, %dma_wait3A_69] : memref<2x4x15x8x128xf32, #tpu.memory_space<vmem>> -> memref<1x4x15x8x128xf32, #tpu.memory_space<vmem>>
      %dma_wait3A_71 = tpu.memref_squeeze %dma_wait3A_70 : memref<1x4x15x8x128xf32, #tpu.memory_space<vmem>> -> memref<4x15x8x128xf32, #tpu.memory_space<vmem>>
      %dma_wait3A_72 = arith.constant 0 : i32
      %dma_wait3A_73 = arith.constant 0 : i32
      %dma_wait3A_74 = arith.constant 0 : i32
      %dma_wait3A_75 = tpu.memref_slice %arg2[%add3A_51, %mul3A_55, %dma_wait3A_72, %dma_wait3A_73, %dma_wait3A_74] : memref<128x8x15x8x128xf32, #tpu.memory_space<hbm>> -> memref<1x4x15x8x128xf32, #tpu.memory_space<hbm>>
      %dma_wait3A_76 = tpu.memref_squeeze %dma_wait3A_75 : memref<1x4x15x8x128xf32, #tpu.memory_space<hbm>> -> memref<4x15x8x128xf32, #tpu.memory_space<hbm>>
      tpu.wait_dma2 semaphore(%arg6 : memref<!tpu.dma_semaphore, #tpu.memory_space<semaphore_mem>>) src(%dma_wait3A_76 : memref<4x15x8x128xf32, #tpu.memory_space<hbm>>) dst(%dma_wait3A_71 : memref<4x15x8x128xf32, #tpu.memory_space<vmem>>)
      %lt3A = arith.constant 7 : i32
      %lt3A_77 = arith.cmpi slt, %scan3A_37, %lt3A : i32
      %convert_element_type3A = arith.extui %lt3A_77 : i1 to i32
      %cond3A = arith.constant 0 : i32
      %cond3A_78 = arith.cmpi ne, %convert_element_type3A, %cond3A : i32
      scf.if %cond3A_78 {
        %add3A_462 = arith.constant 1 : i32
        %add3A_463 = arith.addi %scan3A_37, %add3A_462 : i32
        %sub3A_464 = arith.constant 1 : i32
        %sub3A_465 = arith.subi %sub3A_464, %rem3A_46 : i32
        %mul3A_466 = arith.constant 4 : i32
        %mul3A_467 = arith.muli %add3A, %mul3A_466 : i32
        %div3A_468 = arith.constant 2 : i32
        %div3A_469 = arith.divsi %add3A_463, %div3A_468 : i32
        %add3A_470 = arith.addi %mul3A_467, %div3A_469 : i32
        %rem3A_471 = arith.constant 2 : i32
        %rem3A_472 = arith.remsi %add3A_463, %rem3A_471 : i32
        %mul3A_473 = arith.constant 4 : i32
        %mul3A_474 = arith.muli %mul3A_473, %rem3A_472 : i32
        %dma_start3A_475 = arith.constant 0 : i32
        %dma_start3A_476 = arith.constant 0 : i32
        %dma_start3A_477 = arith.constant 0 : i32
        %dma_start3A_478 = arith.constant 0 : i32
        %dma_start3A_479 = tpu.memref_slice %arg4[%sub3A_465, %dma_start3A_475, %dma_start3A_476, %dma_start3A_477, %dma_start3A_478] : memref<2x4x15x8x128xf32, #tpu.memory_space<vmem>> -> memref<1x4x15x8x128xf32, #tpu.memory_space<vmem>>
        %dma_start3A_480 = tpu.memref_squeeze %dma_start3A_479 : memref<1x4x15x8x128xf32, #tpu.memory_space<vmem>> -> memref<4x15x8x128xf32, #tpu.memory_space<vmem>>
        %dma_start3A_481 = arith.constant 0 : i32
        %dma_start3A_482 = arith.constant 0 : i32
        %dma_start3A_483 = arith.constant 0 : i32
        %dma_start3A_484 = tpu.memref_slice %arg2[%add3A_470, %mul3A_474, %dma_start3A_481, %dma_start3A_482, %dma_start3A_483] : memref<128x8x15x8x128xf32, #tpu.memory_space<hbm>> -> memref<1x4x15x8x128xf32, #tpu.memory_space<hbm>>
        %dma_start3A_485 = tpu.memref_squeeze %dma_start3A_484 : memref<1x4x15x8x128xf32, #tpu.memory_space<hbm>> -> memref<4x15x8x128xf32, #tpu.memory_space<hbm>>
        %dma_start3A_486 = arith.constant 0 : i32
        %dma_start3A_487 = arith.constant 0 : i32
        %dma_start3A_488 = arith.constant 0 : i32
        %dma_start3A_489 = arith.constant 0 : i32
        %dma_start3A_490 = tpu.memref_slice %arg4[%sub3A_465, %dma_start3A_486, %dma_start3A_487, %dma_start3A_488, %dma_start3A_489] : memref<2x4x15x8x128xf32, #tpu.memory_space<vmem>> -> memref<1x4x15x8x128xf32, #tpu.memory_space<vmem>>
        %dma_start3A_491 = tpu.memref_squeeze %dma_start3A_490 : memref<1x4x15x8x128xf32, #tpu.memory_space<vmem>> -> memref<4x15x8x128xf32, #tpu.memory_space<vmem>>
        %dma_start3A_492 = arith.constant 0 : i32
        %dma_start3A_493 = arith.constant 0 : i32
        %dma_start3A_494 = arith.constant 0 : i32
        %dma_start3A_495 = tpu.memref_slice %arg2[%add3A_470, %mul3A_474, %dma_start3A_492, %dma_start3A_493, %dma_start3A_494] : memref<128x8x15x8x128xf32, #tpu.memory_space<hbm>> -> memref<1x4x15x8x128xf32, #tpu.memory_space<hbm>>
        %dma_start3A_496 = tpu.memref_squeeze %dma_start3A_495 : memref<1x4x15x8x128xf32, #tpu.memory_space<hbm>> -> memref<4x15x8x128xf32, #tpu.memory_space<hbm>>
        tpu.enqueue_dma source(%dma_start3A_496 : memref<4x15x8x128xf32, #tpu.memory_space<hbm>>) target(%dma_start3A_491 : memref<4x15x8x128xf32, #tpu.memory_space<vmem>>) target_semaphore(%arg6 : memref<!tpu.dma_semaphore, #tpu.memory_space<semaphore_mem>>)
      } else {
      }
      %sub3A = arith.constant 1023 : i32
      %sub3A_79 = arith.subi %sub3A, %add3A_42 : i32
      %mul3A_80 = arith.constant 4 : i32
      %mul3A_81 = arith.muli %mul3A_80, %rem3A_44 : i32
      %dma_start3A_82 = arith.constant 0 : i32
      %dma_start3A_83 = arith.constant 0 : i32
      %dma_start3A_84 = arith.constant 0 : i32
      %dma_start3A_85 = arith.constant 0 : i32
      %dma_start3A_86 = tpu.memref_slice %arg4[%rem3A_46, %dma_start3A_82, %dma_start3A_83, %dma_start3A_84, %dma_start3A_85] : memref<2x4x15x8x128xf32, #tpu.memory_space<vmem>> -> memref<1x4x8x8x128xf32, #tpu.memory_space<vmem>>
      %dma_start3A_87 = tpu.memref_squeeze %dma_start3A_86 : memref<1x4x8x8x128xf32, #tpu.memory_space<vmem>> -> memref<4x8x8x128xf32, #tpu.memory_space<vmem>>
      %dma_start3A_88 = arith.constant 0 : i32
      %dma_start3A_89 = arith.constant 0 : i32
      %dma_start3A_90 = arith.constant 0 : i32
      %dma_start3A_91 = tpu.memref_slice %arg3[%sub3A_79, %mul3A_81, %dma_start3A_88, %dma_start3A_89, %dma_start3A_90] : memref<1024x8x8x8x128xf32, #tpu.memory_space<hbm>> -> memref<1x4x8x8x128xf32, #tpu.memory_space<hbm>>
      %dma_start3A_92 = tpu.memref_squeeze %dma_start3A_91 : memref<1x4x8x8x128xf32, #tpu.memory_space<hbm>> -> memref<4x8x8x128xf32, #tpu.memory_space<hbm>>
      %dma_start3A_93 = arith.constant 0 : i32
      %dma_start3A_94 = arith.constant 0 : i32
      %dma_start3A_95 = arith.constant 0 : i32
      %dma_start3A_96 = tpu.memref_slice %arg3[%sub3A_79, %mul3A_81, %dma_start3A_93, %dma_start3A_94, %dma_start3A_95] : memref<1024x8x8x8x128xf32, #tpu.memory_space<hbm>> -> memref<1x4x8x8x128xf32, #tpu.memory_space<hbm>>
      %dma_start3A_97 = tpu.memref_squeeze %dma_start3A_96 : memref<1x4x8x8x128xf32, #tpu.memory_space<hbm>> -> memref<4x8x8x128xf32, #tpu.memory_space<hbm>>
      %dma_start3A_98 = arith.constant 0 : i32
      %dma_start3A_99 = arith.constant 0 : i32
      %dma_start3A_100 = arith.constant 0 : i32
      %dma_start3A_101 = arith.constant 0 : i32
      %dma_start3A_102 = tpu.memref_slice %arg4[%rem3A_46, %dma_start3A_98, %dma_start3A_99, %dma_start3A_100, %dma_start3A_101] : memref<2x4x15x8x128xf32, #tpu.memory_space<vmem>> -> memref<1x4x8x8x128xf32, #tpu.memory_space<vmem>>
      %dma_start3A_103 = tpu.memref_squeeze %dma_start3A_102 : memref<1x4x8x8x128xf32, #tpu.memory_space<vmem>> -> memref<4x8x8x128xf32, #tpu.memory_space<vmem>>
      tpu.enqueue_dma source(%dma_start3A_103 : memref<4x8x8x128xf32, #tpu.memory_space<vmem>>) target(%dma_start3A_97 : memref<4x8x8x128xf32, #tpu.memory_space<hbm>>) target_semaphore(%arg5 : memref<!tpu.dma_semaphore, #tpu.memory_space<semaphore_mem>>)
      %sub3A_104 = arith.constant 895 : i32
      %sub3A_105 = arith.subi %sub3A_104, %add3A_42 : i32
      %mul3A_106 = arith.constant 4 : i32
      %mul3A_107 = arith.muli %mul3A_106, %rem3A_44 : i32
      %dma_start3A_108 = arith.constant 0 : i32
      %dma_start3A_109 = arith.constant 1 : i32
      %dma_start3A_110 = arith.constant 0 : i32
      %dma_start3A_111 = arith.constant 0 : i32
      %dma_start3A_112 = tpu.memref_slice %arg4[%rem3A_46, %dma_start3A_108, %dma_start3A_109, %dma_start3A_110, %dma_start3A_111] : memref<2x4x15x8x128xf32, #tpu.memory_space<vmem>> -> memref<1x4x8x8x128xf32, #tpu.memory_space<vmem>>
      %dma_start3A_113 = tpu.memref_squeeze %dma_start3A_112 : memref<1x4x8x8x128xf32, #tpu.memory_space<vmem>> -> memref<4x8x8x128xf32, #tpu.memory_space<vmem>>
      %dma_start3A_114 = arith.constant 0 : i32
      %dma_start3A_115 = arith.constant 0 : i32
      %dma_start3A_116 = arith.constant 0 : i32
      %dma_start3A_117 = tpu.memref_slice %arg3[%sub3A_105, %mul3A_107, %dma_start3A_114, %dma_start3A_115, %dma_start3A_116] : memref<1024x8x8x8x128xf32, #tpu.memory_space<hbm>> -> memref<1x4x8x8x128xf32, #tpu.memory_space<hbm>>
      %dma_start3A_118 = tpu.memref_squeeze %dma_start3A_117 : memref<1x4x8x8x128xf32, #tpu.memory_space<hbm>> -> memref<4x8x8x128xf32, #tpu.memory_space<hbm>>
      %dma_start3A_119 = arith.constant 0 : i32
      %dma_start3A_120 = arith.constant 0 : i32
      %dma_start3A_121 = arith.constant 0 : i32
      %dma_start3A_122 = tpu.memref_slice %arg3[%sub3A_105, %mul3A_107, %dma_start3A_119, %dma_start3A_120, %dma_start3A_121] : memref<1024x8x8x8x128xf32, #tpu.memory_space<hbm>> -> memref<1x4x8x8x128xf32, #tpu.memory_space<hbm>>
      %dma_start3A_123 = tpu.memref_squeeze %dma_start3A_122 : memref<1x4x8x8x128xf32, #tpu.memory_space<hbm>> -> memref<4x8x8x128xf32, #tpu.memory_space<hbm>>
      %dma_start3A_124 = arith.constant 0 : i32
      %dma_start3A_125 = arith.constant 1 : i32
      %dma_start3A_126 = arith.constant 0 : i32
      %dma_start3A_127 = arith.constant 0 : i32
      %dma_start3A_128 = tpu.memref_slice %arg4[%rem3A_46, %dma_start3A_124, %dma_start3A_125, %dma_start3A_126, %dma_start3A_127] : memref<2x4x15x8x128xf32, #tpu.memory_space<vmem>> -> memref<1x4x8x8x128xf32, #tpu.memory_space<vmem>>
      %dma_start3A_129 = tpu.memref_squeeze %dma_start3A_128 : memref<1x4x8x8x128xf32, #tpu.memory_space<vmem>> -> memref<4x8x8x128xf32, #tpu.memory_space<vmem>>
      tpu.enqueue_dma source(%dma_start3A_129 : memref<4x8x8x128xf32, #tpu.memory_space<vmem>>) target(%dma_start3A_123 : memref<4x8x8x128xf32, #tpu.memory_space<hbm>>) target_semaphore(%arg5 : memref<!tpu.dma_semaphore, #tpu.memory_space<semaphore_mem>>)
      %sub3A_130 = arith.constant 767 : i32
      %sub3A_131 = arith.subi %sub3A_130, %add3A_42 : i32
      %mul3A_132 = arith.constant 4 : i32
      %mul3A_133 = arith.muli %mul3A_132, %rem3A_44 : i32
      %dma_start3A_134 = arith.constant 0 : i32
      %dma_start3A_135 = arith.constant 2 : i32
      %dma_start3A_136 = arith.constant 0 : i32
      %dma_start3A_137 = arith.constant 0 : i32
      %dma_start3A_138 = tpu.memref_slice %arg4[%rem3A_46, %dma_start3A_134, %dma_start3A_135, %dma_start3A_136, %dma_start3A_137] : memref<2x4x15x8x128xf32, #tpu.memory_space<vmem>> -> memref<1x4x8x8x128xf32, #tpu.memory_space<vmem>>
      %dma_start3A_139 = tpu.memref_squeeze %dma_start3A_138 : memref<1x4x8x8x128xf32, #tpu.memory_space<vmem>> -> memref<4x8x8x128xf32, #tpu.memory_space<vmem>>
      %dma_start3A_140 = arith.constant 0 : i32
      %dma_start3A_141 = arith.constant 0 : i32
      %dma_start3A_142 = arith.constant 0 : i32
      %dma_start3A_143 = tpu.memref_slice %arg3[%sub3A_131, %mul3A_133, %dma_start3A_140, %dma_start3A_141, %dma_start3A_142] : memref<1024x8x8x8x128xf32, #tpu.memory_space<hbm>> -> memref<1x4x8x8x128xf32, #tpu.memory_space<hbm>>
      %dma_start3A_144 = tpu.memref_squeeze %dma_start3A_143 : memref<1x4x8x8x128xf32, #tpu.memory_space<hbm>> -> memref<4x8x8x128xf32, #tpu.memory_space<hbm>>
      %dma_start3A_145 = arith.constant 0 : i32
      %dma_start3A_146 = arith.constant 0 : i32
      %dma_start3A_147 = arith.constant 0 : i32
      %dma_start3A_148 = tpu.memref_slice %arg3[%sub3A_131, %mul3A_133, %dma_start3A_145, %dma_start3A_146, %dma_start3A_147] : memref<1024x8x8x8x128xf32, #tpu.memory_space<hbm>> -> memref<1x4x8x8x128xf32, #tpu.memory_space<hbm>>
      %dma_start3A_149 = tpu.memref_squeeze %dma_start3A_148 : memref<1x4x8x8x128xf32, #tpu.memory_space<hbm>> -> memref<4x8x8x128xf32, #tpu.memory_space<hbm>>
      %dma_start3A_150 = arith.constant 0 : i32
      %dma_start3A_151 = arith.constant 2 : i32
      %dma_start3A_152 = arith.constant 0 : i32
      %dma_start3A_153 = arith.constant 0 : i32
      %dma_start3A_154 = tpu.memref_slice %arg4[%rem3A_46, %dma_start3A_150, %dma_start3A_151, %dma_start3A_152, %dma_start3A_153] : memref<2x4x15x8x128xf32, #tpu.memory_space<vmem>> -> memref<1x4x8x8x128xf32, #tpu.memory_space<vmem>>
      %dma_start3A_155 = tpu.memref_squeeze %dma_start3A_154 : memref<1x4x8x8x128xf32, #tpu.memory_space<vmem>> -> memref<4x8x8x128xf32, #tpu.memory_space<vmem>>
      tpu.enqueue_dma source(%dma_start3A_155 : memref<4x8x8x128xf32, #tpu.memory_space<vmem>>) target(%dma_start3A_149 : memref<4x8x8x128xf32, #tpu.memory_space<hbm>>) target_semaphore(%arg5 : memref<!tpu.dma_semaphore, #tpu.memory_space<semaphore_mem>>)
      %sub3A_156 = arith.constant 639 : i32
      %sub3A_157 = arith.subi %sub3A_156, %add3A_42 : i32
      %mul3A_158 = arith.constant 4 : i32
      %mul3A_159 = arith.muli %mul3A_158, %rem3A_44 : i32
      %dma_start3A_160 = arith.constant 0 : i32
      %dma_start3A_161 = arith.constant 3 : i32
      %dma_start3A_162 = arith.constant 0 : i32
      %dma_start3A_163 = arith.constant 0 : i32
      %dma_start3A_164 = tpu.memref_slice %arg4[%rem3A_46, %dma_start3A_160, %dma_start3A_161, %dma_start3A_162, %dma_start3A_163] : memref<2x4x15x8x128xf32, #tpu.memory_space<vmem>> -> memref<1x4x8x8x128xf32, #tpu.memory_space<vmem>>
      %dma_start3A_165 = tpu.memref_squeeze %dma_start3A_164 : memref<1x4x8x8x128xf32, #tpu.memory_space<vmem>> -> memref<4x8x8x128xf32, #tpu.memory_space<vmem>>
      %dma_start3A_166 = arith.constant 0 : i32
      %dma_start3A_167 = arith.constant 0 : i32
      %dma_start3A_168 = arith.constant 0 : i32
      %dma_start3A_169 = tpu.memref_slice %arg3[%sub3A_157, %mul3A_159, %dma_start3A_166, %dma_start3A_167, %dma_start3A_168] : memref<1024x8x8x8x128xf32, #tpu.memory_space<hbm>> -> memref<1x4x8x8x128xf32, #tpu.memory_space<hbm>>
      %dma_start3A_170 = tpu.memref_squeeze %dma_start3A_169 : memref<1x4x8x8x128xf32, #tpu.memory_space<hbm>> -> memref<4x8x8x128xf32, #tpu.memory_space<hbm>>
      %dma_start3A_171 = arith.constant 0 : i32
      %dma_start3A_172 = arith.constant 0 : i32
      %dma_start3A_173 = arith.constant 0 : i32
      %dma_start3A_174 = tpu.memref_slice %arg3[%sub3A_157, %mul3A_159, %dma_start3A_171, %dma_start3A_172, %dma_start3A_173] : memref<1024x8x8x8x128xf32, #tpu.memory_space<hbm>> -> memref<1x4x8x8x128xf32, #tpu.memory_space<hbm>>
      %dma_start3A_175 = tpu.memref_squeeze %dma_start3A_174 : memref<1x4x8x8x128xf32, #tpu.memory_space<hbm>> -> memref<4x8x8x128xf32, #tpu.memory_space<hbm>>
      %dma_start3A_176 = arith.constant 0 : i32
      %dma_start3A_177 = arith.constant 3 : i32
      %dma_start3A_178 = arith.constant 0 : i32
      %dma_start3A_179 = arith.constant 0 : i32
      %dma_start3A_180 = tpu.memref_slice %arg4[%rem3A_46, %dma_start3A_176, %dma_start3A_177, %dma_start3A_178, %dma_start3A_179] : memref<2x4x15x8x128xf32, #tpu.memory_space<vmem>> -> memref<1x4x8x8x128xf32, #tpu.memory_space<vmem>>
      %dma_start3A_181 = tpu.memref_squeeze %dma_start3A_180 : memref<1x4x8x8x128xf32, #tpu.memory_space<vmem>> -> memref<4x8x8x128xf32, #tpu.memory_space<vmem>>
      tpu.enqueue_dma source(%dma_start3A_181 : memref<4x8x8x128xf32, #tpu.memory_space<vmem>>) target(%dma_start3A_175 : memref<4x8x8x128xf32, #tpu.memory_space<hbm>>) target_semaphore(%arg5 : memref<!tpu.dma_semaphore, #tpu.memory_space<semaphore_mem>>)
      %sub3A_182 = arith.constant 511 : i32
      %sub3A_183 = arith.subi %sub3A_182, %add3A_42 : i32
      %mul3A_184 = arith.constant 4 : i32
      %mul3A_185 = arith.muli %mul3A_184, %rem3A_44 : i32
      %dma_start3A_186 = arith.constant 0 : i32
      %dma_start3A_187 = arith.constant 4 : i32
      %dma_start3A_188 = arith.constant 0 : i32
      %dma_start3A_189 = arith.constant 0 : i32
      %dma_start3A_190 = tpu.memref_slice %arg4[%rem3A_46, %dma_start3A_186, %dma_start3A_187, %dma_start3A_188, %dma_start3A_189] : memref<2x4x15x8x128xf32, #tpu.memory_space<vmem>> -> memref<1x4x8x8x128xf32, #tpu.memory_space<vmem>>
      %dma_start3A_191 = tpu.memref_squeeze %dma_start3A_190 : memref<1x4x8x8x128xf32, #tpu.memory_space<vmem>> -> memref<4x8x8x128xf32, #tpu.memory_space<vmem>>
      %dma_start3A_192 = arith.constant 0 : i32
      %dma_start3A_193 = arith.constant 0 : i32
      %dma_start3A_194 = arith.constant 0 : i32
      %dma_start3A_195 = tpu.memref_slice %arg3[%sub3A_183, %mul3A_185, %dma_start3A_192, %dma_start3A_193, %dma_start3A_194] : memref<1024x8x8x8x128xf32, #tpu.memory_space<hbm>> -> memref<1x4x8x8x128xf32, #tpu.memory_space<hbm>>
      %dma_start3A_196 = tpu.memref_squeeze %dma_start3A_195 : memref<1x4x8x8x128xf32, #tpu.memory_space<hbm>> -> memref<4x8x8x128xf32, #tpu.memory_space<hbm>>
      %dma_start3A_197 = arith.constant 0 : i32
      %dma_start3A_198 = arith.constant 0 : i32
      %dma_start3A_199 = arith.constant 0 : i32
      %dma_start3A_200 = tpu.memref_slice %arg3[%sub3A_183, %mul3A_185, %dma_start3A_197, %dma_start3A_198, %dma_start3A_199] : memref<1024x8x8x8x128xf32, #tpu.memory_space<hbm>> -> memref<1x4x8x8x128xf32, #tpu.memory_space<hbm>>
      %dma_start3A_201 = tpu.memref_squeeze %dma_start3A_200 : memref<1x4x8x8x128xf32, #tpu.memory_space<hbm>> -> memref<4x8x8x128xf32, #tpu.memory_space<hbm>>
      %dma_start3A_202 = arith.constant 0 : i32
      %dma_start3A_203 = arith.constant 4 : i32
      %dma_start3A_204 = arith.constant 0 : i32
      %dma_start3A_205 = arith.constant 0 : i32
      %dma_start3A_206 = tpu.memref_slice %arg4[%rem3A_46, %dma_start3A_202, %dma_start3A_203, %dma_start3A_204, %dma_start3A_205] : memref<2x4x15x8x128xf32, #tpu.memory_space<vmem>> -> memref<1x4x8x8x128xf32, #tpu.memory_space<vmem>>
      %dma_start3A_207 = tpu.memref_squeeze %dma_start3A_206 : memref<1x4x8x8x128xf32, #tpu.memory_space<vmem>> -> memref<4x8x8x128xf32, #tpu.memory_space<vmem>>
      tpu.enqueue_dma source(%dma_start3A_207 : memref<4x8x8x128xf32, #tpu.memory_space<vmem>>) target(%dma_start3A_201 : memref<4x8x8x128xf32, #tpu.memory_space<hbm>>) target_semaphore(%arg5 : memref<!tpu.dma_semaphore, #tpu.memory_space<semaphore_mem>>)
      %sub3A_208 = arith.constant 383 : i32
      %sub3A_209 = arith.subi %sub3A_208, %add3A_42 : i32
      %mul3A_210 = arith.constant 4 : i32
      %mul3A_211 = arith.muli %mul3A_210, %rem3A_44 : i32
      %dma_start3A_212 = arith.constant 0 : i32
      %dma_start3A_213 = arith.constant 5 : i32
      %dma_start3A_214 = arith.constant 0 : i32
      %dma_start3A_215 = arith.constant 0 : i32
      %dma_start3A_216 = tpu.memref_slice %arg4[%rem3A_46, %dma_start3A_212, %dma_start3A_213, %dma_start3A_214, %dma_start3A_215] : memref<2x4x15x8x128xf32, #tpu.memory_space<vmem>> -> memref<1x4x8x8x128xf32, #tpu.memory_space<vmem>>
      %dma_start3A_217 = tpu.memref_squeeze %dma_start3A_216 : memref<1x4x8x8x128xf32, #tpu.memory_space<vmem>> -> memref<4x8x8x128xf32, #tpu.memory_space<vmem>>
      %dma_start3A_218 = arith.constant 0 : i32
      %dma_start3A_219 = arith.constant 0 : i32
      %dma_start3A_220 = arith.constant 0 : i32
      %dma_start3A_221 = tpu.memref_slice %arg3[%sub3A_209, %mul3A_211, %dma_start3A_218, %dma_start3A_219, %dma_start3A_220] : memref<1024x8x8x8x128xf32, #tpu.memory_space<hbm>> -> memref<1x4x8x8x128xf32, #tpu.memory_space<hbm>>
      %dma_start3A_222 = tpu.memref_squeeze %dma_start3A_221 : memref<1x4x8x8x128xf32, #tpu.memory_space<hbm>> -> memref<4x8x8x128xf32, #tpu.memory_space<hbm>>
      %dma_start3A_223 = arith.constant 0 : i32
      %dma_start3A_224 = arith.constant 0 : i32
      %dma_start3A_225 = arith.constant 0 : i32
      %dma_start3A_226 = tpu.memref_slice %arg3[%sub3A_209, %mul3A_211, %dma_start3A_223, %dma_start3A_224, %dma_start3A_225] : memref<1024x8x8x8x128xf32, #tpu.memory_space<hbm>> -> memref<1x4x8x8x128xf32, #tpu.memory_space<hbm>>
      %dma_start3A_227 = tpu.memref_squeeze %dma_start3A_226 : memref<1x4x8x8x128xf32, #tpu.memory_space<hbm>> -> memref<4x8x8x128xf32, #tpu.memory_space<hbm>>
      %dma_start3A_228 = arith.constant 0 : i32
      %dma_start3A_229 = arith.constant 5 : i32
      %dma_start3A_230 = arith.constant 0 : i32
      %dma_start3A_231 = arith.constant 0 : i32
      %dma_start3A_232 = tpu.memref_slice %arg4[%rem3A_46, %dma_start3A_228, %dma_start3A_229, %dma_start3A_230, %dma_start3A_231] : memref<2x4x15x8x128xf32, #tpu.memory_space<vmem>> -> memref<1x4x8x8x128xf32, #tpu.memory_space<vmem>>
      %dma_start3A_233 = tpu.memref_squeeze %dma_start3A_232 : memref<1x4x8x8x128xf32, #tpu.memory_space<vmem>> -> memref<4x8x8x128xf32, #tpu.memory_space<vmem>>
      tpu.enqueue_dma source(%dma_start3A_233 : memref<4x8x8x128xf32, #tpu.memory_space<vmem>>) target(%dma_start3A_227 : memref<4x8x8x128xf32, #tpu.memory_space<hbm>>) target_semaphore(%arg5 : memref<!tpu.dma_semaphore, #tpu.memory_space<semaphore_mem>>)
      %sub3A_234 = arith.constant 255 : i32
      %sub3A_235 = arith.subi %sub3A_234, %add3A_42 : i32
      %mul3A_236 = arith.constant 4 : i32
      %mul3A_237 = arith.muli %mul3A_236, %rem3A_44 : i32
      %dma_start3A_238 = arith.constant 0 : i32
      %dma_start3A_239 = arith.constant 6 : i32
      %dma_start3A_240 = arith.constant 0 : i32
      %dma_start3A_241 = arith.constant 0 : i32
      %dma_start3A_242 = tpu.memref_slice %arg4[%rem3A_46, %dma_start3A_238, %dma_start3A_239, %dma_start3A_240, %dma_start3A_241] : memref<2x4x15x8x128xf32, #tpu.memory_space<vmem>> -> memref<1x4x8x8x128xf32, #tpu.memory_space<vmem>>
      %dma_start3A_243 = tpu.memref_squeeze %dma_start3A_242 : memref<1x4x8x8x128xf32, #tpu.memory_space<vmem>> -> memref<4x8x8x128xf32, #tpu.memory_space<vmem>>
      %dma_start3A_244 = arith.constant 0 : i32
      %dma_start3A_245 = arith.constant 0 : i32
      %dma_start3A_246 = arith.constant 0 : i32
      %dma_start3A_247 = tpu.memref_slice %arg3[%sub3A_235, %mul3A_237, %dma_start3A_244, %dma_start3A_245, %dma_start3A_246] : memref<1024x8x8x8x128xf32, #tpu.memory_space<hbm>> -> memref<1x4x8x8x128xf32, #tpu.memory_space<hbm>>
      %dma_start3A_248 = tpu.memref_squeeze %dma_start3A_247 : memref<1x4x8x8x128xf32, #tpu.memory_space<hbm>> -> memref<4x8x8x128xf32, #tpu.memory_space<hbm>>
      %dma_start3A_249 = arith.constant 0 : i32
      %dma_start3A_250 = arith.constant 0 : i32
      %dma_start3A_251 = arith.constant 0 : i32
      %dma_start3A_252 = tpu.memref_slice %arg3[%sub3A_235, %mul3A_237, %dma_start3A_249, %dma_start3A_250, %dma_start3A_251] : memref<1024x8x8x8x128xf32, #tpu.memory_space<hbm>> -> memref<1x4x8x8x128xf32, #tpu.memory_space<hbm>>
      %dma_start3A_253 = tpu.memref_squeeze %dma_start3A_252 : memref<1x4x8x8x128xf32, #tpu.memory_space<hbm>> -> memref<4x8x8x128xf32, #tpu.memory_space<hbm>>
      %dma_start3A_254 = arith.constant 0 : i32
      %dma_start3A_255 = arith.constant 6 : i32
      %dma_start3A_256 = arith.constant 0 : i32
      %dma_start3A_257 = arith.constant 0 : i32
      %dma_start3A_258 = tpu.memref_slice %arg4[%rem3A_46, %dma_start3A_254, %dma_start3A_255, %dma_start3A_256, %dma_start3A_257] : memref<2x4x15x8x128xf32, #tpu.memory_space<vmem>> -> memref<1x4x8x8x128xf32, #tpu.memory_space<vmem>>
      %dma_start3A_259 = tpu.memref_squeeze %dma_start3A_258 : memref<1x4x8x8x128xf32, #tpu.memory_space<vmem>> -> memref<4x8x8x128xf32, #tpu.memory_space<vmem>>
      tpu.enqueue_dma source(%dma_start3A_259 : memref<4x8x8x128xf32, #tpu.memory_space<vmem>>) target(%dma_start3A_253 : memref<4x8x8x128xf32, #tpu.memory_space<hbm>>) target_semaphore(%arg5 : memref<!tpu.dma_semaphore, #tpu.memory_space<semaphore_mem>>)
      %sub3A_260 = arith.constant 127 : i32
      %sub3A_261 = arith.subi %sub3A_260, %add3A_42 : i32
      %mul3A_262 = arith.constant 4 : i32
      %mul3A_263 = arith.muli %mul3A_262, %rem3A_44 : i32
      %dma_start3A_264 = arith.constant 0 : i32
      %dma_start3A_265 = arith.constant 7 : i32
      %dma_start3A_266 = arith.constant 0 : i32
      %dma_start3A_267 = arith.constant 0 : i32
      %dma_start3A_268 = tpu.memref_slice %arg4[%rem3A_46, %dma_start3A_264, %dma_start3A_265, %dma_start3A_266, %dma_start3A_267] : memref<2x4x15x8x128xf32, #tpu.memory_space<vmem>> -> memref<1x4x8x8x128xf32, #tpu.memory_space<vmem>>
      %dma_start3A_269 = tpu.memref_squeeze %dma_start3A_268 : memref<1x4x8x8x128xf32, #tpu.memory_space<vmem>> -> memref<4x8x8x128xf32, #tpu.memory_space<vmem>>
      %dma_start3A_270 = arith.constant 0 : i32
      %dma_start3A_271 = arith.constant 0 : i32
      %dma_start3A_272 = arith.constant 0 : i32
      %dma_start3A_273 = tpu.memref_slice %arg3[%sub3A_261, %mul3A_263, %dma_start3A_270, %dma_start3A_271, %dma_start3A_272] : memref<1024x8x8x8x128xf32, #tpu.memory_space<hbm>> -> memref<1x4x8x8x128xf32, #tpu.memory_space<hbm>>
      %dma_start3A_274 = tpu.memref_squeeze %dma_start3A_273 : memref<1x4x8x8x128xf32, #tpu.memory_space<hbm>> -> memref<4x8x8x128xf32, #tpu.memory_space<hbm>>
      %dma_start3A_275 = arith.constant 0 : i32
      %dma_start3A_276 = arith.constant 0 : i32
      %dma_start3A_277 = arith.constant 0 : i32
      %dma_start3A_278 = tpu.memref_slice %arg3[%sub3A_261, %mul3A_263, %dma_start3A_275, %dma_start3A_276, %dma_start3A_277] : memref<1024x8x8x8x128xf32, #tpu.memory_space<hbm>> -> memref<1x4x8x8x128xf32, #tpu.memory_space<hbm>>
      %dma_start3A_279 = tpu.memref_squeeze %dma_start3A_278 : memref<1x4x8x8x128xf32, #tpu.memory_space<hbm>> -> memref<4x8x8x128xf32, #tpu.memory_space<hbm>>
      %dma_start3A_280 = arith.constant 0 : i32
      %dma_start3A_281 = arith.constant 7 : i32
      %dma_start3A_282 = arith.constant 0 : i32
      %dma_start3A_283 = arith.constant 0 : i32
      %dma_start3A_284 = tpu.memref_slice %arg4[%rem3A_46, %dma_start3A_280, %dma_start3A_281, %dma_start3A_282, %dma_start3A_283] : memref<2x4x15x8x128xf32, #tpu.memory_space<vmem>> -> memref<1x4x8x8x128xf32, #tpu.memory_space<vmem>>
      %dma_start3A_285 = tpu.memref_squeeze %dma_start3A_284 : memref<1x4x8x8x128xf32, #tpu.memory_space<vmem>> -> memref<4x8x8x128xf32, #tpu.memory_space<vmem>>
      tpu.enqueue_dma source(%dma_start3A_285 : memref<4x8x8x128xf32, #tpu.memory_space<vmem>>) target(%dma_start3A_279 : memref<4x8x8x128xf32, #tpu.memory_space<hbm>>) target_semaphore(%arg5 : memref<!tpu.dma_semaphore, #tpu.memory_space<semaphore_mem>>)
      %dma_wait3A_286 = arith.constant 0 : i32
      %dma_wait3A_287 = arith.constant 0 : i32
      %dma_wait3A_288 = arith.constant 0 : i32
      %dma_wait3A_289 = arith.constant 0 : i32
      %dma_wait3A_290 = tpu.memref_slice %arg4[%rem3A_46, %dma_wait3A_286, %dma_wait3A_287, %dma_wait3A_288, %dma_wait3A_289] : memref<2x4x15x8x128xf32, #tpu.memory_space<vmem>> -> memref<1x4x8x8x128xf32, #tpu.memory_space<vmem>>
      %dma_wait3A_291 = tpu.memref_squeeze %dma_wait3A_290 : memref<1x4x8x8x128xf32, #tpu.memory_space<vmem>> -> memref<4x8x8x128xf32, #tpu.memory_space<vmem>>
      %dma_wait3A_292 = arith.constant 0 : i32
      %dma_wait3A_293 = arith.constant 0 : i32
      %dma_wait3A_294 = arith.constant 0 : i32
      %dma_wait3A_295 = tpu.memref_slice %arg3[%sub3A_79, %mul3A_81, %dma_wait3A_292, %dma_wait3A_293, %dma_wait3A_294] : memref<1024x8x8x8x128xf32, #tpu.memory_space<hbm>> -> memref<1x4x8x8x128xf32, #tpu.memory_space<hbm>>
      %dma_wait3A_296 = tpu.memref_squeeze %dma_wait3A_295 : memref<1x4x8x8x128xf32, #tpu.memory_space<hbm>> -> memref<4x8x8x128xf32, #tpu.memory_space<hbm>>
      %dma_wait3A_297 = arith.constant 0 : i32
      %dma_wait3A_298 = arith.constant 0 : i32
      %dma_wait3A_299 = arith.constant 0 : i32
      %dma_wait3A_300 = tpu.memref_slice %arg3[%sub3A_79, %mul3A_81, %dma_wait3A_297, %dma_wait3A_298, %dma_wait3A_299] : memref<1024x8x8x8x128xf32, #tpu.memory_space<hbm>> -> memref<1x4x8x8x128xf32, #tpu.memory_space<hbm>>
      %dma_wait3A_301 = tpu.memref_squeeze %dma_wait3A_300 : memref<1x4x8x8x128xf32, #tpu.memory_space<hbm>> -> memref<4x8x8x128xf32, #tpu.memory_space<hbm>>
      %dma_wait3A_302 = arith.constant 0 : i32
      %dma_wait3A_303 = arith.constant 0 : i32
      %dma_wait3A_304 = arith.constant 0 : i32
      %dma_wait3A_305 = arith.constant 0 : i32
      %dma_wait3A_306 = tpu.memref_slice %arg4[%rem3A_46, %dma_wait3A_302, %dma_wait3A_303, %dma_wait3A_304, %dma_wait3A_305] : memref<2x4x15x8x128xf32, #tpu.memory_space<vmem>> -> memref<1x4x8x8x128xf32, #tpu.memory_space<vmem>>
      %dma_wait3A_307 = tpu.memref_squeeze %dma_wait3A_306 : memref<1x4x8x8x128xf32, #tpu.memory_space<vmem>> -> memref<4x8x8x128xf32, #tpu.memory_space<vmem>>
      tpu.wait_dma2 semaphore(%arg5 : memref<!tpu.dma_semaphore, #tpu.memory_space<semaphore_mem>>) src(%dma_wait3A_307 : memref<4x8x8x128xf32, #tpu.memory_space<vmem>>) dst(%dma_wait3A_301 : memref<4x8x8x128xf32, #tpu.memory_space<hbm>>)
      %dma_wait3A_308 = arith.constant 0 : i32
      %dma_wait3A_309 = arith.constant 1 : i32
      %dma_wait3A_310 = arith.constant 0 : i32
      %dma_wait3A_311 = arith.constant 0 : i32
      %dma_wait3A_312 = tpu.memref_slice %arg4[%rem3A_46, %dma_wait3A_308, %dma_wait3A_309, %dma_wait3A_310, %dma_wait3A_311] : memref<2x4x15x8x128xf32, #tpu.memory_space<vmem>> -> memref<1x4x8x8x128xf32, #tpu.memory_space<vmem>>
      %dma_wait3A_313 = tpu.memref_squeeze %dma_wait3A_312 : memref<1x4x8x8x128xf32, #tpu.memory_space<vmem>> -> memref<4x8x8x128xf32, #tpu.memory_space<vmem>>
      %dma_wait3A_314 = arith.constant 0 : i32
      %dma_wait3A_315 = arith.constant 0 : i32
      %dma_wait3A_316 = arith.constant 0 : i32
      %dma_wait3A_317 = tpu.memref_slice %arg3[%sub3A_105, %mul3A_107, %dma_wait3A_314, %dma_wait3A_315, %dma_wait3A_316] : memref<1024x8x8x8x128xf32, #tpu.memory_space<hbm>> -> memref<1x4x8x8x128xf32, #tpu.memory_space<hbm>>
      %dma_wait3A_318 = tpu.memref_squeeze %dma_wait3A_317 : memref<1x4x8x8x128xf32, #tpu.memory_space<hbm>> -> memref<4x8x8x128xf32, #tpu.memory_space<hbm>>
      %dma_wait3A_319 = arith.constant 0 : i32
      %dma_wait3A_320 = arith.constant 0 : i32
      %dma_wait3A_321 = arith.constant 0 : i32
      %dma_wait3A_322 = tpu.memref_slice %arg3[%sub3A_105, %mul3A_107, %dma_wait3A_319, %dma_wait3A_320, %dma_wait3A_321] : memref<1024x8x8x8x128xf32, #tpu.memory_space<hbm>> -> memref<1x4x8x8x128xf32, #tpu.memory_space<hbm>>
      %dma_wait3A_323 = tpu.memref_squeeze %dma_wait3A_322 : memref<1x4x8x8x128xf32, #tpu.memory_space<hbm>> -> memref<4x8x8x128xf32, #tpu.memory_space<hbm>>
      %dma_wait3A_324 = arith.constant 0 : i32
      %dma_wait3A_325 = arith.constant 1 : i32
      %dma_wait3A_326 = arith.constant 0 : i32
      %dma_wait3A_327 = arith.constant 0 : i32
      %dma_wait3A_328 = tpu.memref_slice %arg4[%rem3A_46, %dma_wait3A_324, %dma_wait3A_325, %dma_wait3A_326, %dma_wait3A_327] : memref<2x4x15x8x128xf32, #tpu.memory_space<vmem>> -> memref<1x4x8x8x128xf32, #tpu.memory_space<vmem>>
      %dma_wait3A_329 = tpu.memref_squeeze %dma_wait3A_328 : memref<1x4x8x8x128xf32, #tpu.memory_space<vmem>> -> memref<4x8x8x128xf32, #tpu.memory_space<vmem>>
      tpu.wait_dma2 semaphore(%arg5 : memref<!tpu.dma_semaphore, #tpu.memory_space<semaphore_mem>>) src(%dma_wait3A_329 : memref<4x8x8x128xf32, #tpu.memory_space<vmem>>) dst(%dma_wait3A_323 : memref<4x8x8x128xf32, #tpu.memory_space<hbm>>)
      %dma_wait3A_330 = arith.constant 0 : i32
      %dma_wait3A_331 = arith.constant 2 : i32
      %dma_wait3A_332 = arith.constant 0 : i32
      %dma_wait3A_333 = arith.constant 0 : i32
      %dma_wait3A_334 = tpu.memref_slice %arg4[%rem3A_46, %dma_wait3A_330, %dma_wait3A_331, %dma_wait3A_332, %dma_wait3A_333] : memref<2x4x15x8x128xf32, #tpu.memory_space<vmem>> -> memref<1x4x8x8x128xf32, #tpu.memory_space<vmem>>
      %dma_wait3A_335 = tpu.memref_squeeze %dma_wait3A_334 : memref<1x4x8x8x128xf32, #tpu.memory_space<vmem>> -> memref<4x8x8x128xf32, #tpu.memory_space<vmem>>
      %dma_wait3A_336 = arith.constant 0 : i32
      %dma_wait3A_337 = arith.constant 0 : i32
      %dma_wait3A_338 = arith.constant 0 : i32
      %dma_wait3A_339 = tpu.memref_slice %arg3[%sub3A_131, %mul3A_133, %dma_wait3A_336, %dma_wait3A_337, %dma_wait3A_338] : memref<1024x8x8x8x128xf32, #tpu.memory_space<hbm>> -> memref<1x4x8x8x128xf32, #tpu.memory_space<hbm>>
      %dma_wait3A_340 = tpu.memref_squeeze %dma_wait3A_339 : memref<1x4x8x8x128xf32, #tpu.memory_space<hbm>> -> memref<4x8x8x128xf32, #tpu.memory_space<hbm>>
      %dma_wait3A_341 = arith.constant 0 : i32
      %dma_wait3A_342 = arith.constant 0 : i32
      %dma_wait3A_343 = arith.constant 0 : i32
      %dma_wait3A_344 = tpu.memref_slice %arg3[%sub3A_131, %mul3A_133, %dma_wait3A_341, %dma_wait3A_342, %dma_wait3A_343] : memref<1024x8x8x8x128xf32, #tpu.memory_space<hbm>> -> memref<1x4x8x8x128xf32, #tpu.memory_space<hbm>>
      %dma_wait3A_345 = tpu.memref_squeeze %dma_wait3A_344 : memref<1x4x8x8x128xf32, #tpu.memory_space<hbm>> -> memref<4x8x8x128xf32, #tpu.memory_space<hbm>>
      %dma_wait3A_346 = arith.constant 0 : i32
      %dma_wait3A_347 = arith.constant 2 : i32
      %dma_wait3A_348 = arith.constant 0 : i32
      %dma_wait3A_349 = arith.constant 0 : i32
      %dma_wait3A_350 = tpu.memref_slice %arg4[%rem3A_46, %dma_wait3A_346, %dma_wait3A_347, %dma_wait3A_348, %dma_wait3A_349] : memref<2x4x15x8x128xf32, #tpu.memory_space<vmem>> -> memref<1x4x8x8x128xf32, #tpu.memory_space<vmem>>
      %dma_wait3A_351 = tpu.memref_squeeze %dma_wait3A_350 : memref<1x4x8x8x128xf32, #tpu.memory_space<vmem>> -> memref<4x8x8x128xf32, #tpu.memory_space<vmem>>
      tpu.wait_dma2 semaphore(%arg5 : memref<!tpu.dma_semaphore, #tpu.memory_space<semaphore_mem>>) src(%dma_wait3A_351 : memref<4x8x8x128xf32, #tpu.memory_space<vmem>>) dst(%dma_wait3A_345 : memref<4x8x8x128xf32, #tpu.memory_space<hbm>>)
      %dma_wait3A_352 = arith.constant 0 : i32
      %dma_wait3A_353 = arith.constant 3 : i32
      %dma_wait3A_354 = arith.constant 0 : i32
      %dma_wait3A_355 = arith.constant 0 : i32
      %dma_wait3A_356 = tpu.memref_slice %arg4[%rem3A_46, %dma_wait3A_352, %dma_wait3A_353, %dma_wait3A_354, %dma_wait3A_355] : memref<2x4x15x8x128xf32, #tpu.memory_space<vmem>> -> memref<1x4x8x8x128xf32, #tpu.memory_space<vmem>>
      %dma_wait3A_357 = tpu.memref_squeeze %dma_wait3A_356 : memref<1x4x8x8x128xf32, #tpu.memory_space<vmem>> -> memref<4x8x8x128xf32, #tpu.memory_space<vmem>>
      %dma_wait3A_358 = arith.constant 0 : i32
      %dma_wait3A_359 = arith.constant 0 : i32
      %dma_wait3A_360 = arith.constant 0 : i32
      %dma_wait3A_361 = tpu.memref_slice %arg3[%sub3A_157, %mul3A_159, %dma_wait3A_358, %dma_wait3A_359, %dma_wait3A_360] : memref<1024x8x8x8x128xf32, #tpu.memory_space<hbm>> -> memref<1x4x8x8x128xf32, #tpu.memory_space<hbm>>
      %dma_wait3A_362 = tpu.memref_squeeze %dma_wait3A_361 : memref<1x4x8x8x128xf32, #tpu.memory_space<hbm>> -> memref<4x8x8x128xf32, #tpu.memory_space<hbm>>
      %dma_wait3A_363 = arith.constant 0 : i32
      %dma_wait3A_364 = arith.constant 0 : i32
      %dma_wait3A_365 = arith.constant 0 : i32
      %dma_wait3A_366 = tpu.memref_slice %arg3[%sub3A_157, %mul3A_159, %dma_wait3A_363, %dma_wait3A_364, %dma_wait3A_365] : memref<1024x8x8x8x128xf32, #tpu.memory_space<hbm>> -> memref<1x4x8x8x128xf32, #tpu.memory_space<hbm>>
      %dma_wait3A_367 = tpu.memref_squeeze %dma_wait3A_366 : memref<1x4x8x8x128xf32, #tpu.memory_space<hbm>> -> memref<4x8x8x128xf32, #tpu.memory_space<hbm>>
      %dma_wait3A_368 = arith.constant 0 : i32
      %dma_wait3A_369 = arith.constant 3 : i32
      %dma_wait3A_370 = arith.constant 0 : i32
      %dma_wait3A_371 = arith.constant 0 : i32
      %dma_wait3A_372 = tpu.memref_slice %arg4[%rem3A_46, %dma_wait3A_368, %dma_wait3A_369, %dma_wait3A_370, %dma_wait3A_371] : memref<2x4x15x8x128xf32, #tpu.memory_space<vmem>> -> memref<1x4x8x8x128xf32, #tpu.memory_space<vmem>>
      %dma_wait3A_373 = tpu.memref_squeeze %dma_wait3A_372 : memref<1x4x8x8x128xf32, #tpu.memory_space<vmem>> -> memref<4x8x8x128xf32, #tpu.memory_space<vmem>>
      tpu.wait_dma2 semaphore(%arg5 : memref<!tpu.dma_semaphore, #tpu.memory_space<semaphore_mem>>) src(%dma_wait3A_373 : memref<4x8x8x128xf32, #tpu.memory_space<vmem>>) dst(%dma_wait3A_367 : memref<4x8x8x128xf32, #tpu.memory_space<hbm>>)
      %dma_wait3A_374 = arith.constant 0 : i32
      %dma_wait3A_375 = arith.constant 4 : i32
      %dma_wait3A_376 = arith.constant 0 : i32
      %dma_wait3A_377 = arith.constant 0 : i32
      %dma_wait3A_378 = tpu.memref_slice %arg4[%rem3A_46, %dma_wait3A_374, %dma_wait3A_375, %dma_wait3A_376, %dma_wait3A_377] : memref<2x4x15x8x128xf32, #tpu.memory_space<vmem>> -> memref<1x4x8x8x128xf32, #tpu.memory_space<vmem>>
      %dma_wait3A_379 = tpu.memref_squeeze %dma_wait3A_378 : memref<1x4x8x8x128xf32, #tpu.memory_space<vmem>> -> memref<4x8x8x128xf32, #tpu.memory_space<vmem>>
      %dma_wait3A_380 = arith.constant 0 : i32
      %dma_wait3A_381 = arith.constant 0 : i32
      %dma_wait3A_382 = arith.constant 0 : i32
      %dma_wait3A_383 = tpu.memref_slice %arg3[%sub3A_183, %mul3A_185, %dma_wait3A_380, %dma_wait3A_381, %dma_wait3A_382] : memref<1024x8x8x8x128xf32, #tpu.memory_space<hbm>> -> memref<1x4x8x8x128xf32, #tpu.memory_space<hbm>>
      %dma_wait3A_384 = tpu.memref_squeeze %dma_wait3A_383 : memref<1x4x8x8x128xf32, #tpu.memory_space<hbm>> -> memref<4x8x8x128xf32, #tpu.memory_space<hbm>>
      %dma_wait3A_385 = arith.constant 0 : i32
      %dma_wait3A_386 = arith.constant 0 : i32
      %dma_wait3A_387 = arith.constant 0 : i32
      %dma_wait3A_388 = tpu.memref_slice %arg3[%sub3A_183, %mul3A_185, %dma_wait3A_385, %dma_wait3A_386, %dma_wait3A_387] : memref<1024x8x8x8x128xf32, #tpu.memory_space<hbm>> -> memref<1x4x8x8x128xf32, #tpu.memory_space<hbm>>
      %dma_wait3A_389 = tpu.memref_squeeze %dma_wait3A_388 : memref<1x4x8x8x128xf32, #tpu.memory_space<hbm>> -> memref<4x8x8x128xf32, #tpu.memory_space<hbm>>
      %dma_wait3A_390 = arith.constant 0 : i32
      %dma_wait3A_391 = arith.constant 4 : i32
      %dma_wait3A_392 = arith.constant 0 : i32
      %dma_wait3A_393 = arith.constant 0 : i32
      %dma_wait3A_394 = tpu.memref_slice %arg4[%rem3A_46, %dma_wait3A_390, %dma_wait3A_391, %dma_wait3A_392, %dma_wait3A_393] : memref<2x4x15x8x128xf32, #tpu.memory_space<vmem>> -> memref<1x4x8x8x128xf32, #tpu.memory_space<vmem>>
      %dma_wait3A_395 = tpu.memref_squeeze %dma_wait3A_394 : memref<1x4x8x8x128xf32, #tpu.memory_space<vmem>> -> memref<4x8x8x128xf32, #tpu.memory_space<vmem>>
      tpu.wait_dma2 semaphore(%arg5 : memref<!tpu.dma_semaphore, #tpu.memory_space<semaphore_mem>>) src(%dma_wait3A_395 : memref<4x8x8x128xf32, #tpu.memory_space<vmem>>) dst(%dma_wait3A_389 : memref<4x8x8x128xf32, #tpu.memory_space<hbm>>)
      %dma_wait3A_396 = arith.constant 0 : i32
      %dma_wait3A_397 = arith.constant 5 : i32
      %dma_wait3A_398 = arith.constant 0 : i32
      %dma_wait3A_399 = arith.constant 0 : i32
      %dma_wait3A_400 = tpu.memref_slice %arg4[%rem3A_46, %dma_wait3A_396, %dma_wait3A_397, %dma_wait3A_398, %dma_wait3A_399] : memref<2x4x15x8x128xf32, #tpu.memory_space<vmem>> -> memref<1x4x8x8x128xf32, #tpu.memory_space<vmem>>
      %dma_wait3A_401 = tpu.memref_squeeze %dma_wait3A_400 : memref<1x4x8x8x128xf32, #tpu.memory_space<vmem>> -> memref<4x8x8x128xf32, #tpu.memory_space<vmem>>
      %dma_wait3A_402 = arith.constant 0 : i32
      %dma_wait3A_403 = arith.constant 0 : i32
      %dma_wait3A_404 = arith.constant 0 : i32
      %dma_wait3A_405 = tpu.memref_slice %arg3[%sub3A_209, %mul3A_211, %dma_wait3A_402, %dma_wait3A_403, %dma_wait3A_404] : memref<1024x8x8x8x128xf32, #tpu.memory_space<hbm>> -> memref<1x4x8x8x128xf32, #tpu.memory_space<hbm>>
      %dma_wait3A_406 = tpu.memref_squeeze %dma_wait3A_405 : memref<1x4x8x8x128xf32, #tpu.memory_space<hbm>> -> memref<4x8x8x128xf32, #tpu.memory_space<hbm>>
      %dma_wait3A_407 = arith.constant 0 : i32
      %dma_wait3A_408 = arith.constant 0 : i32
      %dma_wait3A_409 = arith.constant 0 : i32
      %dma_wait3A_410 = tpu.memref_slice %arg3[%sub3A_209, %mul3A_211, %dma_wait3A_407, %dma_wait3A_408, %dma_wait3A_409] : memref<1024x8x8x8x128xf32, #tpu.memory_space<hbm>> -> memref<1x4x8x8x128xf32, #tpu.memory_space<hbm>>
      %dma_wait3A_411 = tpu.memref_squeeze %dma_wait3A_410 : memref<1x4x8x8x128xf32, #tpu.memory_space<hbm>> -> memref<4x8x8x128xf32, #tpu.memory_space<hbm>>
      %dma_wait3A_412 = arith.constant 0 : i32
      %dma_wait3A_413 = arith.constant 5 : i32
      %dma_wait3A_414 = arith.constant 0 : i32
      %dma_wait3A_415 = arith.constant 0 : i32
      %dma_wait3A_416 = tpu.memref_slice %arg4[%rem3A_46, %dma_wait3A_412, %dma_wait3A_413, %dma_wait3A_414, %dma_wait3A_415] : memref<2x4x15x8x128xf32, #tpu.memory_space<vmem>> -> memref<1x4x8x8x128xf32, #tpu.memory_space<vmem>>
      %dma_wait3A_417 = tpu.memref_squeeze %dma_wait3A_416 : memref<1x4x8x8x128xf32, #tpu.memory_space<vmem>> -> memref<4x8x8x128xf32, #tpu.memory_space<vmem>>
      tpu.wait_dma2 semaphore(%arg5 : memref<!tpu.dma_semaphore, #tpu.memory_space<semaphore_mem>>) src(%dma_wait3A_417 : memref<4x8x8x128xf32, #tpu.memory_space<vmem>>) dst(%dma_wait3A_411 : memref<4x8x8x128xf32, #tpu.memory_space<hbm>>)
      %dma_wait3A_418 = arith.constant 0 : i32
      %dma_wait3A_419 = arith.constant 6 : i32
      %dma_wait3A_420 = arith.constant 0 : i32
      %dma_wait3A_421 = arith.constant 0 : i32
      %dma_wait3A_422 = tpu.memref_slice %arg4[%rem3A_46, %dma_wait3A_418, %dma_wait3A_419, %dma_wait3A_420, %dma_wait3A_421] : memref<2x4x15x8x128xf32, #tpu.memory_space<vmem>> -> memref<1x4x8x8x128xf32, #tpu.memory_space<vmem>>
      %dma_wait3A_423 = tpu.memref_squeeze %dma_wait3A_422 : memref<1x4x8x8x128xf32, #tpu.memory_space<vmem>> -> memref<4x8x8x128xf32, #tpu.memory_space<vmem>>
      %dma_wait3A_424 = arith.constant 0 : i32
      %dma_wait3A_425 = arith.constant 0 : i32
      %dma_wait3A_426 = arith.constant 0 : i32
      %dma_wait3A_427 = tpu.memref_slice %arg3[%sub3A_235, %mul3A_237, %dma_wait3A_424, %dma_wait3A_425, %dma_wait3A_426] : memref<1024x8x8x8x128xf32, #tpu.memory_space<hbm>> -> memref<1x4x8x8x128xf32, #tpu.memory_space<hbm>>
      %dma_wait3A_428 = tpu.memref_squeeze %dma_wait3A_427 : memref<1x4x8x8x128xf32, #tpu.memory_space<hbm>> -> memref<4x8x8x128xf32, #tpu.memory_space<hbm>>
      %dma_wait3A_429 = arith.constant 0 : i32
      %dma_wait3A_430 = arith.constant 0 : i32
      %dma_wait3A_431 = arith.constant 0 : i32
      %dma_wait3A_432 = tpu.memref_slice %arg3[%sub3A_235, %mul3A_237, %dma_wait3A_429, %dma_wait3A_430, %dma_wait3A_431] : memref<1024x8x8x8x128xf32, #tpu.memory_space<hbm>> -> memref<1x4x8x8x128xf32, #tpu.memory_space<hbm>>
      %dma_wait3A_433 = tpu.memref_squeeze %dma_wait3A_432 : memref<1x4x8x8x128xf32, #tpu.memory_space<hbm>> -> memref<4x8x8x128xf32, #tpu.memory_space<hbm>>
      %dma_wait3A_434 = arith.constant 0 : i32
      %dma_wait3A_435 = arith.constant 6 : i32
      %dma_wait3A_436 = arith.constant 0 : i32
      %dma_wait3A_437 = arith.constant 0 : i32
      %dma_wait3A_438 = tpu.memref_slice %arg4[%rem3A_46, %dma_wait3A_434, %dma_wait3A_435, %dma_wait3A_436, %dma_wait3A_437] : memref<2x4x15x8x128xf32, #tpu.memory_space<vmem>> -> memref<1x4x8x8x128xf32, #tpu.memory_space<vmem>>
      %dma_wait3A_439 = tpu.memref_squeeze %dma_wait3A_438 : memref<1x4x8x8x128xf32, #tpu.memory_space<vmem>> -> memref<4x8x8x128xf32, #tpu.memory_space<vmem>>
      tpu.wait_dma2 semaphore(%arg5 : memref<!tpu.dma_semaphore, #tpu.memory_space<semaphore_mem>>) src(%dma_wait3A_439 : memref<4x8x8x128xf32, #tpu.memory_space<vmem>>) dst(%dma_wait3A_433 : memref<4x8x8x128xf32, #tpu.memory_space<hbm>>)
      %dma_wait3A_440 = arith.constant 0 : i32
      %dma_wait3A_441 = arith.constant 7 : i32
      %dma_wait3A_442 = arith.constant 0 : i32
      %dma_wait3A_443 = arith.constant 0 : i32
      %dma_wait3A_444 = tpu.memref_slice %arg4[%rem3A_46, %dma_wait3A_440, %dma_wait3A_441, %dma_wait3A_442, %dma_wait3A_443] : memref<2x4x15x8x128xf32, #tpu.memory_space<vmem>> -> memref<1x4x8x8x128xf32, #tpu.memory_space<vmem>>
      %dma_wait3A_445 = tpu.memref_squeeze %dma_wait3A_444 : memref<1x4x8x8x128xf32, #tpu.memory_space<vmem>> -> memref<4x8x8x128xf32, #tpu.memory_space<vmem>>
      %dma_wait3A_446 = arith.constant 0 : i32
      %dma_wait3A_447 = arith.constant 0 : i32
      %dma_wait3A_448 = arith.constant 0 : i32
      %dma_wait3A_449 = tpu.memref_slice %arg3[%sub3A_261, %mul3A_263, %dma_wait3A_446, %dma_wait3A_447, %dma_wait3A_448] : memref<1024x8x8x8x128xf32, #tpu.memory_space<hbm>> -> memref<1x4x8x8x128xf32, #tpu.memory_space<hbm>>
      %dma_wait3A_450 = tpu.memref_squeeze %dma_wait3A_449 : memref<1x4x8x8x128xf32, #tpu.memory_space<hbm>> -> memref<4x8x8x128xf32, #tpu.memory_space<hbm>>
      %dma_wait3A_451 = arith.constant 0 : i32
      %dma_wait3A_452 = arith.constant 0 : i32
      %dma_wait3A_453 = arith.constant 0 : i32
      %dma_wait3A_454 = tpu.memref_slice %arg3[%sub3A_261, %mul3A_263, %dma_wait3A_451, %dma_wait3A_452, %dma_wait3A_453] : memref<1024x8x8x8x128xf32, #tpu.memory_space<hbm>> -> memref<1x4x8x8x128xf32, #tpu.memory_space<hbm>>
      %dma_wait3A_455 = tpu.memref_squeeze %dma_wait3A_454 : memref<1x4x8x8x128xf32, #tpu.memory_space<hbm>> -> memref<4x8x8x128xf32, #tpu.memory_space<hbm>>
      %dma_wait3A_456 = arith.constant 0 : i32
      %dma_wait3A_457 = arith.constant 7 : i32
      %dma_wait3A_458 = arith.constant 0 : i32
      %dma_wait3A_459 = arith.constant 0 : i32
      %dma_wait3A_460 = tpu.memref_slice %arg4[%rem3A_46, %dma_wait3A_456, %dma_wait3A_457, %dma_wait3A_458, %dma_wait3A_459] : memref<2x4x15x8x128xf32, #tpu.memory_space<vmem>> -> memref<1x4x8x8x128xf32, #tpu.memory_space<vmem>>
      %dma_wait3A_461 = tpu.memref_squeeze %dma_wait3A_460 : memref<1x4x8x8x128xf32, #tpu.memory_space<vmem>> -> memref<4x8x8x128xf32, #tpu.memory_space<vmem>>
      tpu.wait_dma2 semaphore(%arg5 : memref<!tpu.dma_semaphore, #tpu.memory_space<semaphore_mem>>) src(%dma_wait3A_461 : memref<4x8x8x128xf32, #tpu.memory_space<vmem>>) dst(%dma_wait3A_455 : memref<4x8x8x128xf32, #tpu.memory_space<hbm>>)
    }
    %scan3A_36 = arith.constant 8 : i32
    return
  }
}

module attributes {stable_mosaic.version = 14 : i64} {
  func.func @body(%arg0: i32, %arg1: memref<64x2048xf32, #tpu.memory_space<vmem>>, %arg2: memref<1x8x15x8x128xf32, #tpu.memory_space<vmem>>) attributes {dimension_semantics = [#tpu.dimension_semantics<arbitrary>], iteration_bounds = array<i64: 128>, scalar_prefetch = 0 : i64, scratch_operands = 0 : i64, tpu.core_type = #tpu.core_type<tc>, window_params = [{pipeline_mode = #tpu.pipeline_mode<synchronous>, transform_indices = @transform_0, window_bounds = array<i64: 64, 2048>}, {transform_indices = @transform_1, window_bounds = array<i64: 1, 8, 15, 8, 128>}]} {
    %get3A = arith.constant 0 : index
    %get3A_0 = arith.constant 0 : index
    %get3A_1 = vector.load %arg1[%get3A, %get3A_0] : memref<64x2048xf32, #tpu.memory_space<vmem>>, vector<64x2048xf32>
    %sub3A = arith.constant 2048 : i32
    %sub3A_2 = arith.subi %sub3A, %arg0 : i32
    %rem3A = arith.constant 2048 : i32
    %rem3A_3 = arith.remsi %sub3A_2, %rem3A : i32
    %roll3A = tpu.dynamic_rotate %get3A_1 by %rem3A_3 dim 1 : vector<64x2048xf32>, i32 -> vector<64x2048xf32>
    %slice3A = vector.extract_strided_slice %roll3A {offsets = [0, 0], sizes = [8, 128], strides = [1, 1]} : vector<64x2048xf32> to vector<8x128xf32>
    %swap3A = arith.constant 0 : index
    %swap3A_4 = arith.constant 0 : index
    %swap3A_5 = arith.constant 0 : index
    %swap3A_6 = arith.constant 0 : index
    %swap3A_7 = arith.constant 0 : index
    %swap3A_8 = vector.load %arg2[%swap3A, %swap3A_4, %swap3A_5, %swap3A_6, %swap3A_7] : memref<1x8x15x8x128xf32, #tpu.memory_space<vmem>>, vector<1x1x1x8x128xf32>
    %swap3A_9 = vector.shape_cast %swap3A_8 : vector<1x1x1x8x128xf32> to vector<8x128xf32>
    %swap3A_10 = vector.shape_cast %slice3A : vector<8x128xf32> to vector<1x1x1x8x128xf32>
    tpu.vector_store %arg2[%swap3A, %swap3A_4, %swap3A_5, %swap3A_6, %swap3A_7], %swap3A_10 {strides = array<i32>} : memref<1x8x15x8x128xf32, #tpu.memory_space<vmem>>, vector<1x1x1x8x128xf32>,
    %slice3A_11 = vector.extract_strided_slice %roll3A {offsets = [0, 128], sizes = [8, 128], strides = [1, 1]} : vector<64x2048xf32> to vector<8x128xf32>
    %swap3A_12 = arith.constant 0 : index
    %swap3A_13 = arith.constant 0 : index
    %swap3A_14 = arith.constant 1 : index
    %swap3A_15 = arith.constant 0 : index
    %swap3A_16 = arith.constant 0 : index
    %swap3A_17 = vector.load %arg2[%swap3A_12, %swap3A_13, %swap3A_14, %swap3A_15, %swap3A_16] : memref<1x8x15x8x128xf32, #tpu.memory_space<vmem>>, vector<1x1x1x8x128xf32>
    %swap3A_18 = vector.shape_cast %swap3A_17 : vector<1x1x1x8x128xf32> to vector<8x128xf32>
    %swap3A_19 = vector.shape_cast %slice3A_11 : vector<8x128xf32> to vector<1x1x1x8x128xf32>
    tpu.vector_store %arg2[%swap3A_12, %swap3A_13, %swap3A_14, %swap3A_15, %swap3A_16], %swap3A_19 {strides = array<i32>} : memref<1x8x15x8x128xf32, #tpu.memory_space<vmem>>, vector<1x1x1x8x128xf32>,
    %slice3A_20 = vector.extract_strided_slice %roll3A {offsets = [0, 256], sizes = [8, 128], strides = [1, 1]} : vector<64x2048xf32> to vector<8x128xf32>
    %swap3A_21 = arith.constant 0 : index
    %swap3A_22 = arith.constant 0 : index
    %swap3A_23 = arith.constant 2 : index
    %swap3A_24 = arith.constant 0 : index
    %swap3A_25 = arith.constant 0 : index
    %swap3A_26 = vector.load %arg2[%swap3A_21, %swap3A_22, %swap3A_23, %swap3A_24, %swap3A_25] : memref<1x8x15x8x128xf32, #tpu.memory_space<vmem>>, vector<1x1x1x8x128xf32>
    %swap3A_27 = vector.shape_cast %swap3A_26 : vector<1x1x1x8x128xf32> to vector<8x128xf32>
    %swap3A_28 = vector.shape_cast %slice3A_20 : vector<8x128xf32> to vector<1x1x1x8x128xf32>
    tpu.vector_store %arg2[%swap3A_21, %swap3A_22, %swap3A_23, %swap3A_24, %swap3A_25], %swap3A_28 {strides = array<i32>} : memref<1x8x15x8x128xf32, #tpu.memory_space<vmem>>, vector<1x1x1x8x128xf32>,
    %slice3A_29 = vector.extract_strided_slice %roll3A {offsets = [0, 384], sizes = [8, 128], strides = [1, 1]} : vector<64x2048xf32> to vector<8x128xf32>
    %swap3A_30 = arith.constant 0 : index
    %swap3A_31 = arith.constant 0 : index
    %swap3A_32 = arith.constant 3 : index
    %swap3A_33 = arith.constant 0 : index
    %swap3A_34 = arith.constant 0 : index
    %swap3A_35 = vector.load %arg2[%swap3A_30, %swap3A_31, %swap3A_32, %swap3A_33, %swap3A_34] : memref<1x8x15x8x128xf32, #tpu.memory_space<vmem>>, vector<1x1x1x8x128xf32>
    %swap3A_36 = vector.shape_cast %swap3A_35 : vector<1x1x1x8x128xf32> to vector<8x128xf32>
    %swap3A_37 = vector.shape_cast %slice3A_29 : vector<8x128xf32> to vector<1x1x1x8x128xf32>
    tpu.vector_store %arg2[%swap3A_30, %swap3A_31, %swap3A_32, %swap3A_33, %swap3A_34], %swap3A_37 {strides = array<i32>} : memref<1x8x15x8x128xf32, #tpu.memory_space<vmem>>, vector<1x1x1x8x128xf32>,
    %slice3A_38 = vector.extract_strided_slice %roll3A {offsets = [0, 512], sizes = [8, 128], strides = [1, 1]} : vector<64x2048xf32> to vector<8x128xf32>
    %swap3A_39 = arith.constant 0 : index
    %swap3A_40 = arith.constant 0 : index
    %swap3A_41 = arith.constant 4 : index
    %swap3A_42 = arith.constant 0 : index
    %swap3A_43 = arith.constant 0 : index
    %swap3A_44 = vector.load %arg2[%swap3A_39, %swap3A_40, %swap3A_41, %swap3A_42, %swap3A_43] : memref<1x8x15x8x128xf32, #tpu.memory_space<vmem>>, vector<1x1x1x8x128xf32>
    %swap3A_45 = vector.shape_cast %swap3A_44 : vector<1x1x1x8x128xf32> to vector<8x128xf32>
    %swap3A_46 = vector.shape_cast %slice3A_38 : vector<8x128xf32> to vector<1x1x1x8x128xf32>
    tpu.vector_store %arg2[%swap3A_39, %swap3A_40, %swap3A_41, %swap3A_42, %swap3A_43], %swap3A_46 {strides = array<i32>} : memref<1x8x15x8x128xf32, #tpu.memory_space<vmem>>, vector<1x1x1x8x128xf32>,
    %slice3A_47 = vector.extract_strided_slice %roll3A {offsets = [0, 640], sizes = [8, 128], strides = [1, 1]} : vector<64x2048xf32> to vector<8x128xf32>
    %swap3A_48 = arith.constant 0 : index
    %swap3A_49 = arith.constant 0 : index
    %swap3A_50 = arith.constant 5 : index
    %swap3A_51 = arith.constant 0 : index
    %swap3A_52 = arith.constant 0 : index
    %swap3A_53 = vector.load %arg2[%swap3A_48, %swap3A_49, %swap3A_50, %swap3A_51, %swap3A_52] : memref<1x8x15x8x128xf32, #tpu.memory_space<vmem>>, vector<1x1x1x8x128xf32>
    %swap3A_54 = vector.shape_cast %swap3A_53 : vector<1x1x1x8x128xf32> to vector<8x128xf32>
    %swap3A_55 = vector.shape_cast %slice3A_47 : vector<8x128xf32> to vector<1x1x1x8x128xf32>
    tpu.vector_store %arg2[%swap3A_48, %swap3A_49, %swap3A_50, %swap3A_51, %swap3A_52], %swap3A_55 {strides = array<i32>} : memref<1x8x15x8x128xf32, #tpu.memory_space<vmem>>, vector<1x1x1x8x128xf32>,
    %slice3A_56 = vector.extract_strided_slice %roll3A {offsets = [0, 768], sizes = [8, 128], strides = [1, 1]} : vector<64x2048xf32> to vector<8x128xf32>
    %swap3A_57 = arith.constant 0 : index
    %swap3A_58 = arith.constant 0 : index
    %swap3A_59 = arith.constant 6 : index
    %swap3A_60 = arith.constant 0 : index
    %swap3A_61 = arith.constant 0 : index
    %swap3A_62 = vector.load %arg2[%swap3A_57, %swap3A_58, %swap3A_59, %swap3A_60, %swap3A_61] : memref<1x8x15x8x128xf32, #tpu.memory_space<vmem>>, vector<1x1x1x8x128xf32>
    %swap3A_63 = vector.shape_cast %swap3A_62 : vector<1x1x1x8x128xf32> to vector<8x128xf32>
    %swap3A_64 = vector.shape_cast %slice3A_56 : vector<8x128xf32> to vector<1x1x1x8x128xf32>
    tpu.vector_store %arg2[%swap3A_57, %swap3A_58, %swap3A_59, %swap3A_60, %swap3A_61], %swap3A_64 {strides = array<i32>} : memref<1x8x15x8x128xf32, #tpu.memory_space<vmem>>, vector<1x1x1x8x128xf32>,
    %slice3A_65 = vector.extract_strided_slice %roll3A {offsets = [0, 896], sizes = [8, 128], strides = [1, 1]} : vector<64x2048xf32> to vector<8x128xf32>
    %swap3A_66 = arith.constant 0 : index
    %swap3A_67 = arith.constant 0 : index
    %swap3A_68 = arith.constant 7 : index
    %swap3A_69 = arith.constant 0 : index
    %swap3A_70 = arith.constant 0 : index
    %swap3A_71 = vector.load %arg2[%swap3A_66, %swap3A_67, %swap3A_68, %swap3A_69, %swap3A_70] : memref<1x8x15x8x128xf32, #tpu.memory_space<vmem>>, vector<1x1x1x8x128xf32>
    %swap3A_72 = vector.shape_cast %swap3A_71 : vector<1x1x1x8x128xf32> to vector<8x128xf32>
    %swap3A_73 = vector.shape_cast %slice3A_65 : vector<8x128xf32> to vector<1x1x1x8x128xf32>
    tpu.vector_store %arg2[%swap3A_66, %swap3A_67, %swap3A_68, %swap3A_69, %swap3A_70], %swap3A_73 {strides = array<i32>} : memref<1x8x15x8x128xf32, #tpu.memory_space<vmem>>, vector<1x1x1x8x128xf32>,
    %slice3A_74 = vector.extract_strided_slice %roll3A {offsets = [0, 1024], sizes = [8, 128], strides = [1, 1]} : vector<64x2048xf32> to vector<8x128xf32>
    %swap3A_75 = arith.constant 0 : index
    %swap3A_76 = arith.constant 0 : index
    %swap3A_77 = arith.constant 8 : index
    %swap3A_78 = arith.constant 0 : index
    %swap3A_79 = arith.constant 0 : index
    %swap3A_80 = vector.load %arg2[%swap3A_75, %swap3A_76, %swap3A_77, %swap3A_78, %swap3A_79] : memref<1x8x15x8x128xf32, #tpu.memory_space<vmem>>, vector<1x1x1x8x128xf32>
    %swap3A_81 = vector.shape_cast %swap3A_80 : vector<1x1x1x8x128xf32> to vector<8x128xf32>
    %swap3A_82 = vector.shape_cast %slice3A_74 : vector<8x128xf32> to vector<1x1x1x8x128xf32>
    tpu.vector_store %arg2[%swap3A_75, %swap3A_76, %swap3A_77, %swap3A_78, %swap3A_79], %swap3A_82 {strides = array<i32>} : memref<1x8x15x8x128xf32, #tpu.memory_space<vmem>>, vector<1x1x1x8x128xf32>,
    %slice3A_83 = vector.extract_strided_slice %roll3A {offsets = [0, 1152], sizes = [8, 128], strides = [1, 1]} : vector<64x2048xf32> to vector<8x128xf32>
    %swap3A_84 = arith.constant 0 : index
    %swap3A_85 = arith.constant 0 : index
    %swap3A_86 = arith.constant 9 : index
    %swap3A_87 = arith.constant 0 : index
    %swap3A_88 = arith.constant 0 : index
    %swap3A_89 = vector.load %arg2[%swap3A_84, %swap3A_85, %swap3A_86, %swap3A_87, %swap3A_88] : memref<1x8x15x8x128xf32, #tpu.memory_space<vmem>>, vector<1x1x1x8x128xf32>
    %swap3A_90 = vector.shape_cast %swap3A_89 : vector<1x1x1x8x128xf32> to vector<8x128xf32>
    %swap3A_91 = vector.shape_cast %slice3A_83 : vector<8x128xf32> to vector<1x1x1x8x128xf32>
    tpu.vector_store %arg2[%swap3A_84, %swap3A_85, %swap3A_86, %swap3A_87, %swap3A_88], %swap3A_91 {strides = array<i32>} : memref<1x8x15x8x128xf32, #tpu.memory_space<vmem>>, vector<1x1x1x8x128xf32>,
    %slice3A_92 = vector.extract_strided_slice %roll3A {offsets = [0, 1280], sizes = [8, 128], strides = [1, 1]} : vector<64x2048xf32> to vector<8x128xf32>
    %swap3A_93 = arith.constant 0 : index
    %swap3A_94 = arith.constant 0 : index
    %swap3A_95 = arith.constant 10 : index
    %swap3A_96 = arith.constant 0 : index
    %swap3A_97 = arith.constant 0 : index
    %swap3A_98 = vector.load %arg2[%swap3A_93, %swap3A_94, %swap3A_95, %swap3A_96, %swap3A_97] : memref<1x8x15x8x128xf32, #tpu.memory_space<vmem>>, vector<1x1x1x8x128xf32>
    %swap3A_99 = vector.shape_cast %swap3A_98 : vector<1x1x1x8x128xf32> to vector<8x128xf32>
    %swap3A_100 = vector.shape_cast %slice3A_92 : vector<8x128xf32> to vector<1x1x1x8x128xf32>
    tpu.vector_store %arg2[%swap3A_93, %swap3A_94, %swap3A_95, %swap3A_96, %swap3A_97], %swap3A_100 {strides = array<i32>} : memref<1x8x15x8x128xf32, #tpu.memory_space<vmem>>, vector<1x1x1x8x128xf32>,
    %slice3A_101 = vector.extract_strided_slice %roll3A {offsets = [0, 1408], sizes = [8, 128], strides = [1, 1]} : vector<64x2048xf32> to vector<8x128xf32>
    %swap3A_102 = arith.constant 0 : index
    %swap3A_103 = arith.constant 0 : index
    %swap3A_104 = arith.constant 11 : index
    %swap3A_105 = arith.constant 0 : index
    %swap3A_106 = arith.constant 0 : index
    %swap3A_107 = vector.load %arg2[%swap3A_102, %swap3A_103, %swap3A_104, %swap3A_105, %swap3A_106] : memref<1x8x15x8x128xf32, #tpu.memory_space<vmem>>, vector<1x1x1x8x128xf32>
    %swap3A_108 = vector.shape_cast %swap3A_107 : vector<1x1x1x8x128xf32> to vector<8x128xf32>
    %swap3A_109 = vector.shape_cast %slice3A_101 : vector<8x128xf32> to vector<1x1x1x8x128xf32>
    tpu.vector_store %arg2[%swap3A_102, %swap3A_103, %swap3A_104, %swap3A_105, %swap3A_106], %swap3A_109 {strides = array<i32>} : memref<1x8x15x8x128xf32, #tpu.memory_space<vmem>>, vector<1x1x1x8x128xf32>,
    %slice3A_110 = vector.extract_strided_slice %roll3A {offsets = [0, 1536], sizes = [8, 128], strides = [1, 1]} : vector<64x2048xf32> to vector<8x128xf32>
    %swap3A_111 = arith.constant 0 : index
    %swap3A_112 = arith.constant 0 : index
    %swap3A_113 = arith.constant 12 : index
    %swap3A_114 = arith.constant 0 : index
    %swap3A_115 = arith.constant 0 : index
    %swap3A_116 = vector.load %arg2[%swap3A_111, %swap3A_112, %swap3A_113, %swap3A_114, %swap3A_115] : memref<1x8x15x8x128xf32, #tpu.memory_space<vmem>>, vector<1x1x1x8x128xf32>
    %swap3A_117 = vector.shape_cast %swap3A_116 : vector<1x1x1x8x128xf32> to vector<8x128xf32>
    %swap3A_118 = vector.shape_cast %slice3A_110 : vector<8x128xf32> to vector<1x1x1x8x128xf32>
    tpu.vector_store %arg2[%swap3A_111, %swap3A_112, %swap3A_113, %swap3A_114, %swap3A_115], %swap3A_118 {strides = array<i32>} : memref<1x8x15x8x128xf32, #tpu.memory_space<vmem>>, vector<1x1x1x8x128xf32>,
    %slice3A_119 = vector.extract_strided_slice %roll3A {offsets = [0, 1664], sizes = [8, 128], strides = [1, 1]} : vector<64x2048xf32> to vector<8x128xf32>
    %swap3A_120 = arith.constant 0 : index
    %swap3A_121 = arith.constant 0 : index
    %swap3A_122 = arith.constant 13 : index
    %swap3A_123 = arith.constant 0 : index
    %swap3A_124 = arith.constant 0 : index
    %swap3A_125 = vector.load %arg2[%swap3A_120, %swap3A_121, %swap3A_122, %swap3A_123, %swap3A_124] : memref<1x8x15x8x128xf32, #tpu.memory_space<vmem>>, vector<1x1x1x8x128xf32>
    %swap3A_126 = vector.shape_cast %swap3A_125 : vector<1x1x1x8x128xf32> to vector<8x128xf32>
    %swap3A_127 = vector.shape_cast %slice3A_119 : vector<8x128xf32> to vector<1x1x1x8x128xf32>
    tpu.vector_store %arg2[%swap3A_120, %swap3A_121, %swap3A_122, %swap3A_123, %swap3A_124], %swap3A_127 {strides = array<i32>} : memref<1x8x15x8x128xf32, #tpu.memory_space<vmem>>, vector<1x1x1x8x128xf32>,
    %slice3A_128 = vector.extract_strided_slice %roll3A {offsets = [0, 1792], sizes = [8, 128], strides = [1, 1]} : vector<64x2048xf32> to vector<8x128xf32>
    %swap3A_129 = arith.constant 0 : index
    %swap3A_130 = arith.constant 0 : index
    %swap3A_131 = arith.constant 14 : index
    %swap3A_132 = arith.constant 0 : index
    %swap3A_133 = arith.constant 0 : index
    %swap3A_134 = vector.load %arg2[%swap3A_129, %swap3A_130, %swap3A_131, %swap3A_132, %swap3A_133] : memref<1x8x15x8x128xf32, #tpu.memory_space<vmem>>, vector<1x1x1x8x128xf32>
    %swap3A_135 = vector.shape_cast %swap3A_134 : vector<1x1x1x8x128xf32> to vector<8x128xf32>
    %swap3A_136 = vector.shape_cast %slice3A_128 : vector<8x128xf32> to vector<1x1x1x8x128xf32>
    tpu.vector_store %arg2[%swap3A_129, %swap3A_130, %swap3A_131, %swap3A_132, %swap3A_133], %swap3A_136 {strides = array<i32>} : memref<1x8x15x8x128xf32, #tpu.memory_space<vmem>>, vector<1x1x1x8x128xf32>,
    %slice3A_137 = vector.extract_strided_slice %roll3A {offsets = [8, 0], sizes = [8, 128], strides = [1, 1]} : vector<64x2048xf32> to vector<8x128xf32>
    %swap3A_138 = arith.constant 0 : index
    %swap3A_139 = arith.constant 1 : index
    %swap3A_140 = arith.constant 0 : index
    %swap3A_141 = arith.constant 0 : index
    %swap3A_142 = arith.constant 0 : index
    %swap3A_143 = vector.load %arg2[%swap3A_138, %swap3A_139, %swap3A_140, %swap3A_141, %swap3A_142] : memref<1x8x15x8x128xf32, #tpu.memory_space<vmem>>, vector<1x1x1x8x128xf32>
    %swap3A_144 = vector.shape_cast %swap3A_143 : vector<1x1x1x8x128xf32> to vector<8x128xf32>
    %swap3A_145 = vector.shape_cast %slice3A_137 : vector<8x128xf32> to vector<1x1x1x8x128xf32>
    tpu.vector_store %arg2[%swap3A_138, %swap3A_139, %swap3A_140, %swap3A_141, %swap3A_142], %swap3A_145 {strides = array<i32>} : memref<1x8x15x8x128xf32, #tpu.memory_space<vmem>>, vector<1x1x1x8x128xf32>,
    %slice3A_146 = vector.extract_strided_slice %roll3A {offsets = [8, 128], sizes = [8, 128], strides = [1, 1]} : vector<64x2048xf32> to vector<8x128xf32>
    %swap3A_147 = arith.constant 0 : index
    %swap3A_148 = arith.constant 1 : index
    %swap3A_149 = arith.constant 1 : index
    %swap3A_150 = arith.constant 0 : index
    %swap3A_151 = arith.constant 0 : index
    %swap3A_152 = vector.load %arg2[%swap3A_147, %swap3A_148, %swap3A_149, %swap3A_150, %swap3A_151] : memref<1x8x15x8x128xf32, #tpu.memory_space<vmem>>, vector<1x1x1x8x128xf32>
    %swap3A_153 = vector.shape_cast %swap3A_152 : vector<1x1x1x8x128xf32> to vector<8x128xf32>
    %swap3A_154 = vector.shape_cast %slice3A_146 : vector<8x128xf32> to vector<1x1x1x8x128xf32>
    tpu.vector_store %arg2[%swap3A_147, %swap3A_148, %swap3A_149, %swap3A_150, %swap3A_151], %swap3A_154 {strides = array<i32>} : memref<1x8x15x8x128xf32, #tpu.memory_space<vmem>>, vector<1x1x1x8x128xf32>,
    %slice3A_155 = vector.extract_strided_slice %roll3A {offsets = [8, 256], sizes = [8, 128], strides = [1, 1]} : vector<64x2048xf32> to vector<8x128xf32>
    %swap3A_156 = arith.constant 0 : index
    %swap3A_157 = arith.constant 1 : index
    %swap3A_158 = arith.constant 2 : index
    %swap3A_159 = arith.constant 0 : index
    %swap3A_160 = arith.constant 0 : index
    %swap3A_161 = vector.load %arg2[%swap3A_156, %swap3A_157, %swap3A_158, %swap3A_159, %swap3A_160] : memref<1x8x15x8x128xf32, #tpu.memory_space<vmem>>, vector<1x1x1x8x128xf32>
    %swap3A_162 = vector.shape_cast %swap3A_161 : vector<1x1x1x8x128xf32> to vector<8x128xf32>
    %swap3A_163 = vector.shape_cast %slice3A_155 : vector<8x128xf32> to vector<1x1x1x8x128xf32>
    tpu.vector_store %arg2[%swap3A_156, %swap3A_157, %swap3A_158, %swap3A_159, %swap3A_160], %swap3A_163 {strides = array<i32>} : memref<1x8x15x8x128xf32, #tpu.memory_space<vmem>>, vector<1x1x1x8x128xf32>,
    %slice3A_164 = vector.extract_strided_slice %roll3A {offsets = [8, 384], sizes = [8, 128], strides = [1, 1]} : vector<64x2048xf32> to vector<8x128xf32>
    %swap3A_165 = arith.constant 0 : index
    %swap3A_166 = arith.constant 1 : index
    %swap3A_167 = arith.constant 3 : index
    %swap3A_168 = arith.constant 0 : index
    %swap3A_169 = arith.constant 0 : index
    %swap3A_170 = vector.load %arg2[%swap3A_165, %swap3A_166, %swap3A_167, %swap3A_168, %swap3A_169] : memref<1x8x15x8x128xf32, #tpu.memory_space<vmem>>, vector<1x1x1x8x128xf32>
    %swap3A_171 = vector.shape_cast %swap3A_170 : vector<1x1x1x8x128xf32> to vector<8x128xf32>
    %swap3A_172 = vector.shape_cast %slice3A_164 : vector<8x128xf32> to vector<1x1x1x8x128xf32>
    tpu.vector_store %arg2[%swap3A_165, %swap3A_166, %swap3A_167, %swap3A_168, %swap3A_169], %swap3A_172 {strides = array<i32>} : memref<1x8x15x8x128xf32, #tpu.memory_space<vmem>>, vector<1x1x1x8x128xf32>,
    %slice3A_173 = vector.extract_strided_slice %roll3A {offsets = [8, 512], sizes = [8, 128], strides = [1, 1]} : vector<64x2048xf32> to vector<8x128xf32>
    %swap3A_174 = arith.constant 0 : index
    %swap3A_175 = arith.constant 1 : index
    %swap3A_176 = arith.constant 4 : index
    %swap3A_177 = arith.constant 0 : index
    %swap3A_178 = arith.constant 0 : index
    %swap3A_179 = vector.load %arg2[%swap3A_174, %swap3A_175, %swap3A_176, %swap3A_177, %swap3A_178] : memref<1x8x15x8x128xf32, #tpu.memory_space<vmem>>, vector<1x1x1x8x128xf32>
    %swap3A_180 = vector.shape_cast %swap3A_179 : vector<1x1x1x8x128xf32> to vector<8x128xf32>
    %swap3A_181 = vector.shape_cast %slice3A_173 : vector<8x128xf32> to vector<1x1x1x8x128xf32>
    tpu.vector_store %arg2[%swap3A_174, %swap3A_175, %swap3A_176, %swap3A_177, %swap3A_178], %swap3A_181 {strides = array<i32>} : memref<1x8x15x8x128xf32, #tpu.memory_space<vmem>>, vector<1x1x1x8x128xf32>,
    %slice3A_182 = vector.extract_strided_slice %roll3A {offsets = [8, 640], sizes = [8, 128], strides = [1, 1]} : vector<64x2048xf32> to vector<8x128xf32>
    %swap3A_183 = arith.constant 0 : index
    %swap3A_184 = arith.constant 1 : index
    %swap3A_185 = arith.constant 5 : index
    %swap3A_186 = arith.constant 0 : index
    %swap3A_187 = arith.constant 0 : index
    %swap3A_188 = vector.load %arg2[%swap3A_183, %swap3A_184, %swap3A_185, %swap3A_186, %swap3A_187] : memref<1x8x15x8x128xf32, #tpu.memory_space<vmem>>, vector<1x1x1x8x128xf32>
    %swap3A_189 = vector.shape_cast %swap3A_188 : vector<1x1x1x8x128xf32> to vector<8x128xf32>
    %swap3A_190 = vector.shape_cast %slice3A_182 : vector<8x128xf32> to vector<1x1x1x8x128xf32>
    tpu.vector_store %arg2[%swap3A_183, %swap3A_184, %swap3A_185, %swap3A_186, %swap3A_187], %swap3A_190 {strides = array<i32>} : memref<1x8x15x8x128xf32, #tpu.memory_space<vmem>>, vector<1x1x1x8x128xf32>,
    %slice3A_191 = vector.extract_strided_slice %roll3A {offsets = [8, 768], sizes = [8, 128], strides = [1, 1]} : vector<64x2048xf32> to vector<8x128xf32>
    %swap3A_192 = arith.constant 0 : index
    %swap3A_193 = arith.constant 1 : index
    %swap3A_194 = arith.constant 6 : index
    %swap3A_195 = arith.constant 0 : index
    %swap3A_196 = arith.constant 0 : index
    %swap3A_197 = vector.load %arg2[%swap3A_192, %swap3A_193, %swap3A_194, %swap3A_195, %swap3A_196] : memref<1x8x15x8x128xf32, #tpu.memory_space<vmem>>, vector<1x1x1x8x128xf32>
    %swap3A_198 = vector.shape_cast %swap3A_197 : vector<1x1x1x8x128xf32> to vector<8x128xf32>
    %swap3A_199 = vector.shape_cast %slice3A_191 : vector<8x128xf32> to vector<1x1x1x8x128xf32>
    tpu.vector_store %arg2[%swap3A_192, %swap3A_193, %swap3A_194, %swap3A_195, %swap3A_196], %swap3A_199 {strides = array<i32>} : memref<1x8x15x8x128xf32, #tpu.memory_space<vmem>>, vector<1x1x1x8x128xf32>,
    %slice3A_200 = vector.extract_strided_slice %roll3A {offsets = [8, 896], sizes = [8, 128], strides = [1, 1]} : vector<64x2048xf32> to vector<8x128xf32>
    %swap3A_201 = arith.constant 0 : index
    %swap3A_202 = arith.constant 1 : index
    %swap3A_203 = arith.constant 7 : index
    %swap3A_204 = arith.constant 0 : index
    %swap3A_205 = arith.constant 0 : index
    %swap3A_206 = vector.load %arg2[%swap3A_201, %swap3A_202, %swap3A_203, %swap3A_204, %swap3A_205] : memref<1x8x15x8x128xf32, #tpu.memory_space<vmem>>, vector<1x1x1x8x128xf32>
    %swap3A_207 = vector.shape_cast %swap3A_206 : vector<1x1x1x8x128xf32> to vector<8x128xf32>
    %swap3A_208 = vector.shape_cast %slice3A_200 : vector<8x128xf32> to vector<1x1x1x8x128xf32>
    tpu.vector_store %arg2[%swap3A_201, %swap3A_202, %swap3A_203, %swap3A_204, %swap3A_205], %swap3A_208 {strides = array<i32>} : memref<1x8x15x8x128xf32, #tpu.memory_space<vmem>>, vector<1x1x1x8x128xf32>,
    %slice3A_209 = vector.extract_strided_slice %roll3A {offsets = [8, 1024], sizes = [8, 128], strides = [1, 1]} : vector<64x2048xf32> to vector<8x128xf32>
    %swap3A_210 = arith.constant 0 : index
    %swap3A_211 = arith.constant 1 : index
    %swap3A_212 = arith.constant 8 : index
    %swap3A_213 = arith.constant 0 : index
    %swap3A_214 = arith.constant 0 : index
    %swap3A_215 = vector.load %arg2[%swap3A_210, %swap3A_211, %swap3A_212, %swap3A_213, %swap3A_214] : memref<1x8x15x8x128xf32, #tpu.memory_space<vmem>>, vector<1x1x1x8x128xf32>
    %swap3A_216 = vector.shape_cast %swap3A_215 : vector<1x1x1x8x128xf32> to vector<8x128xf32>
    %swap3A_217 = vector.shape_cast %slice3A_209 : vector<8x128xf32> to vector<1x1x1x8x128xf32>
    tpu.vector_store %arg2[%swap3A_210, %swap3A_211, %swap3A_212, %swap3A_213, %swap3A_214], %swap3A_217 {strides = array<i32>} : memref<1x8x15x8x128xf32, #tpu.memory_space<vmem>>, vector<1x1x1x8x128xf32>,
    %slice3A_218 = vector.extract_strided_slice %roll3A {offsets = [8, 1152], sizes = [8, 128], strides = [1, 1]} : vector<64x2048xf32> to vector<8x128xf32>
    %swap3A_219 = arith.constant 0 : index
    %swap3A_220 = arith.constant 1 : index
    %swap3A_221 = arith.constant 9 : index
    %swap3A_222 = arith.constant 0 : index
    %swap3A_223 = arith.constant 0 : index
    %swap3A_224 = vector.load %arg2[%swap3A_219, %swap3A_220, %swap3A_221, %swap3A_222, %swap3A_223] : memref<1x8x15x8x128xf32, #tpu.memory_space<vmem>>, vector<1x1x1x8x128xf32>
    %swap3A_225 = vector.shape_cast %swap3A_224 : vector<1x1x1x8x128xf32> to vector<8x128xf32>
    %swap3A_226 = vector.shape_cast %slice3A_218 : vector<8x128xf32> to vector<1x1x1x8x128xf32>
    tpu.vector_store %arg2[%swap3A_219, %swap3A_220, %swap3A_221, %swap3A_222, %swap3A_223], %swap3A_226 {strides = array<i32>} : memref<1x8x15x8x128xf32, #tpu.memory_space<vmem>>, vector<1x1x1x8x128xf32>,
    %slice3A_227 = vector.extract_strided_slice %roll3A {offsets = [8, 1280], sizes = [8, 128], strides = [1, 1]} : vector<64x2048xf32> to vector<8x128xf32>
    %swap3A_228 = arith.constant 0 : index
    %swap3A_229 = arith.constant 1 : index
    %swap3A_230 = arith.constant 10 : index
    %swap3A_231 = arith.constant 0 : index
    %swap3A_232 = arith.constant 0 : index
    %swap3A_233 = vector.load %arg2[%swap3A_228, %swap3A_229, %swap3A_230, %swap3A_231, %swap3A_232] : memref<1x8x15x8x128xf32, #tpu.memory_space<vmem>>, vector<1x1x1x8x128xf32>
    %swap3A_234 = vector.shape_cast %swap3A_233 : vector<1x1x1x8x128xf32> to vector<8x128xf32>
    %swap3A_235 = vector.shape_cast %slice3A_227 : vector<8x128xf32> to vector<1x1x1x8x128xf32>
    tpu.vector_store %arg2[%swap3A_228, %swap3A_229, %swap3A_230, %swap3A_231, %swap3A_232], %swap3A_235 {strides = array<i32>} : memref<1x8x15x8x128xf32, #tpu.memory_space<vmem>>, vector<1x1x1x8x128xf32>,
    %slice3A_236 = vector.extract_strided_slice %roll3A {offsets = [8, 1408], sizes = [8, 128], strides = [1, 1]} : vector<64x2048xf32> to vector<8x128xf32>
    %swap3A_237 = arith.constant 0 : index
    %swap3A_238 = arith.constant 1 : index
    %swap3A_239 = arith.constant 11 : index
    %swap3A_240 = arith.constant 0 : index
    %swap3A_241 = arith.constant 0 : index
    %swap3A_242 = vector.load %arg2[%swap3A_237, %swap3A_238, %swap3A_239, %swap3A_240, %swap3A_241] : memref<1x8x15x8x128xf32, #tpu.memory_space<vmem>>, vector<1x1x1x8x128xf32>
    %swap3A_243 = vector.shape_cast %swap3A_242 : vector<1x1x1x8x128xf32> to vector<8x128xf32>
    %swap3A_244 = vector.shape_cast %slice3A_236 : vector<8x128xf32> to vector<1x1x1x8x128xf32>
    tpu.vector_store %arg2[%swap3A_237, %swap3A_238, %swap3A_239, %swap3A_240, %swap3A_241], %swap3A_244 {strides = array<i32>} : memref<1x8x15x8x128xf32, #tpu.memory_space<vmem>>, vector<1x1x1x8x128xf32>,
    %slice3A_245 = vector.extract_strided_slice %roll3A {offsets = [8, 1536], sizes = [8, 128], strides = [1, 1]} : vector<64x2048xf32> to vector<8x128xf32>
    %swap3A_246 = arith.constant 0 : index
    %swap3A_247 = arith.constant 1 : index
    %swap3A_248 = arith.constant 12 : index
    %swap3A_249 = arith.constant 0 : index
    %swap3A_250 = arith.constant 0 : index
    %swap3A_251 = vector.load %arg2[%swap3A_246, %swap3A_247, %swap3A_248, %swap3A_249, %swap3A_250] : memref<1x8x15x8x128xf32, #tpu.memory_space<vmem>>, vector<1x1x1x8x128xf32>
    %swap3A_252 = vector.shape_cast %swap3A_251 : vector<1x1x1x8x128xf32> to vector<8x128xf32>
    %swap3A_253 = vector.shape_cast %slice3A_245 : vector<8x128xf32> to vector<1x1x1x8x128xf32>
    tpu.vector_store %arg2[%swap3A_246, %swap3A_247, %swap3A_248, %swap3A_249, %swap3A_250], %swap3A_253 {strides = array<i32>} : memref<1x8x15x8x128xf32, #tpu.memory_space<vmem>>, vector<1x1x1x8x128xf32>,
    %slice3A_254 = vector.extract_strided_slice %roll3A {offsets = [8, 1664], sizes = [8, 128], strides = [1, 1]} : vector<64x2048xf32> to vector<8x128xf32>
    %swap3A_255 = arith.constant 0 : index
    %swap3A_256 = arith.constant 1 : index
    %swap3A_257 = arith.constant 13 : index
    %swap3A_258 = arith.constant 0 : index
    %swap3A_259 = arith.constant 0 : index
    %swap3A_260 = vector.load %arg2[%swap3A_255, %swap3A_256, %swap3A_257, %swap3A_258, %swap3A_259] : memref<1x8x15x8x128xf32, #tpu.memory_space<vmem>>, vector<1x1x1x8x128xf32>
    %swap3A_261 = vector.shape_cast %swap3A_260 : vector<1x1x1x8x128xf32> to vector<8x128xf32>
    %swap3A_262 = vector.shape_cast %slice3A_254 : vector<8x128xf32> to vector<1x1x1x8x128xf32>
    tpu.vector_store %arg2[%swap3A_255, %swap3A_256, %swap3A_257, %swap3A_258, %swap3A_259], %swap3A_262 {strides = array<i32>} : memref<1x8x15x8x128xf32, #tpu.memory_space<vmem>>, vector<1x1x1x8x128xf32>,
    %slice3A_263 = vector.extract_strided_slice %roll3A {offsets = [8, 1792], sizes = [8, 128], strides = [1, 1]} : vector<64x2048xf32> to vector<8x128xf32>
    %swap3A_264 = arith.constant 0 : index
    %swap3A_265 = arith.constant 1 : index
    %swap3A_266 = arith.constant 14 : index
    %swap3A_267 = arith.constant 0 : index
    %swap3A_268 = arith.constant 0 : index
    %swap3A_269 = vector.load %arg2[%swap3A_264, %swap3A_265, %swap3A_266, %swap3A_267, %swap3A_268] : memref<1x8x15x8x128xf32, #tpu.memory_space<vmem>>, vector<1x1x1x8x128xf32>
    %swap3A_270 = vector.shape_cast %swap3A_269 : vector<1x1x1x8x128xf32> to vector<8x128xf32>
    %swap3A_271 = vector.shape_cast %slice3A_263 : vector<8x128xf32> to vector<1x1x1x8x128xf32>
    tpu.vector_store %arg2[%swap3A_264, %swap3A_265, %swap3A_266, %swap3A_267, %swap3A_268], %swap3A_271 {strides = array<i32>} : memref<1x8x15x8x128xf32, #tpu.memory_space<vmem>>, vector<1x1x1x8x128xf32>,
    %slice3A_272 = vector.extract_strided_slice %roll3A {offsets = [16, 0], sizes = [8, 128], strides = [1, 1]} : vector<64x2048xf32> to vector<8x128xf32>
    %swap3A_273 = arith.constant 0 : index
    %swap3A_274 = arith.constant 2 : index
    %swap3A_275 = arith.constant 0 : index
    %swap3A_276 = arith.constant 0 : index
    %swap3A_277 = arith.constant 0 : index
    %swap3A_278 = vector.load %arg2[%swap3A_273, %swap3A_274, %swap3A_275, %swap3A_276, %swap3A_277] : memref<1x8x15x8x128xf32, #tpu.memory_space<vmem>>, vector<1x1x1x8x128xf32>
    %swap3A_279 = vector.shape_cast %swap3A_278 : vector<1x1x1x8x128xf32> to vector<8x128xf32>
    %swap3A_280 = vector.shape_cast %slice3A_272 : vector<8x128xf32> to vector<1x1x1x8x128xf32>
    tpu.vector_store %arg2[%swap3A_273, %swap3A_274, %swap3A_275, %swap3A_276, %swap3A_277], %swap3A_280 {strides = array<i32>} : memref<1x8x15x8x128xf32, #tpu.memory_space<vmem>>, vector<1x1x1x8x128xf32>,
    %slice3A_281 = vector.extract_strided_slice %roll3A {offsets = [16, 128], sizes = [8, 128], strides = [1, 1]} : vector<64x2048xf32> to vector<8x128xf32>
    %swap3A_282 = arith.constant 0 : index
    %swap3A_283 = arith.constant 2 : index
    %swap3A_284 = arith.constant 1 : index
    %swap3A_285 = arith.constant 0 : index
    %swap3A_286 = arith.constant 0 : index
    %swap3A_287 = vector.load %arg2[%swap3A_282, %swap3A_283, %swap3A_284, %swap3A_285, %swap3A_286] : memref<1x8x15x8x128xf32, #tpu.memory_space<vmem>>, vector<1x1x1x8x128xf32>
    %swap3A_288 = vector.shape_cast %swap3A_287 : vector<1x1x1x8x128xf32> to vector<8x128xf32>
    %swap3A_289 = vector.shape_cast %slice3A_281 : vector<8x128xf32> to vector<1x1x1x8x128xf32>
    tpu.vector_store %arg2[%swap3A_282, %swap3A_283, %swap3A_284, %swap3A_285, %swap3A_286], %swap3A_289 {strides = array<i32>} : memref<1x8x15x8x128xf32, #tpu.memory_space<vmem>>, vector<1x1x1x8x128xf32>,
    %slice3A_290 = vector.extract_strided_slice %roll3A {offsets = [16, 256], sizes = [8, 128], strides = [1, 1]} : vector<64x2048xf32> to vector<8x128xf32>
    %swap3A_291 = arith.constant 0 : index
    %swap3A_292 = arith.constant 2 : index
    %swap3A_293 = arith.constant 2 : index
    %swap3A_294 = arith.constant 0 : index
    %swap3A_295 = arith.constant 0 : index
    %swap3A_296 = vector.load %arg2[%swap3A_291, %swap3A_292, %swap3A_293, %swap3A_294, %swap3A_295] : memref<1x8x15x8x128xf32, #tpu.memory_space<vmem>>, vector<1x1x1x8x128xf32>
    %swap3A_297 = vector.shape_cast %swap3A_296 : vector<1x1x1x8x128xf32> to vector<8x128xf32>
    %swap3A_298 = vector.shape_cast %slice3A_290 : vector<8x128xf32> to vector<1x1x1x8x128xf32>
    tpu.vector_store %arg2[%swap3A_291, %swap3A_292, %swap3A_293, %swap3A_294, %swap3A_295], %swap3A_298 {strides = array<i32>} : memref<1x8x15x8x128xf32, #tpu.memory_space<vmem>>, vector<1x1x1x8x128xf32>,
    %slice3A_299 = vector.extract_strided_slice %roll3A {offsets = [16, 384], sizes = [8, 128], strides = [1, 1]} : vector<64x2048xf32> to vector<8x128xf32>
    %swap3A_300 = arith.constant 0 : index
    %swap3A_301 = arith.constant 2 : index
    %swap3A_302 = arith.constant 3 : index
    %swap3A_303 = arith.constant 0 : index
    %swap3A_304 = arith.constant 0 : index
    %swap3A_305 = vector.load %arg2[%swap3A_300, %swap3A_301, %swap3A_302, %swap3A_303, %swap3A_304] : memref<1x8x15x8x128xf32, #tpu.memory_space<vmem>>, vector<1x1x1x8x128xf32>
    %swap3A_306 = vector.shape_cast %swap3A_305 : vector<1x1x1x8x128xf32> to vector<8x128xf32>
    %swap3A_307 = vector.shape_cast %slice3A_299 : vector<8x128xf32> to vector<1x1x1x8x128xf32>
    tpu.vector_store %arg2[%swap3A_300, %swap3A_301, %swap3A_302, %swap3A_303, %swap3A_304], %swap3A_307 {strides = array<i32>} : memref<1x8x15x8x128xf32, #tpu.memory_space<vmem>>, vector<1x1x1x8x128xf32>,
    %slice3A_308 = vector.extract_strided_slice %roll3A {offsets = [16, 512], sizes = [8, 128], strides = [1, 1]} : vector<64x2048xf32> to vector<8x128xf32>
    %swap3A_309 = arith.constant 0 : index
    %swap3A_310 = arith.constant 2 : index
    %swap3A_311 = arith.constant 4 : index
    %swap3A_312 = arith.constant 0 : index
    %swap3A_313 = arith.constant 0 : index
    %swap3A_314 = vector.load %arg2[%swap3A_309, %swap3A_310, %swap3A_311, %swap3A_312, %swap3A_313] : memref<1x8x15x8x128xf32, #tpu.memory_space<vmem>>, vector<1x1x1x8x128xf32>
    %swap3A_315 = vector.shape_cast %swap3A_314 : vector<1x1x1x8x128xf32> to vector<8x128xf32>
    %swap3A_316 = vector.shape_cast %slice3A_308 : vector<8x128xf32> to vector<1x1x1x8x128xf32>
    tpu.vector_store %arg2[%swap3A_309, %swap3A_310, %swap3A_311, %swap3A_312, %swap3A_313], %swap3A_316 {strides = array<i32>} : memref<1x8x15x8x128xf32, #tpu.memory_space<vmem>>, vector<1x1x1x8x128xf32>,
    %slice3A_317 = vector.extract_strided_slice %roll3A {offsets = [16, 640], sizes = [8, 128], strides = [1, 1]} : vector<64x2048xf32> to vector<8x128xf32>
    %swap3A_318 = arith.constant 0 : index
    %swap3A_319 = arith.constant 2 : index
    %swap3A_320 = arith.constant 5 : index
    %swap3A_321 = arith.constant 0 : index
    %swap3A_322 = arith.constant 0 : index
    %swap3A_323 = vector.load %arg2[%swap3A_318, %swap3A_319, %swap3A_320, %swap3A_321, %swap3A_322] : memref<1x8x15x8x128xf32, #tpu.memory_space<vmem>>, vector<1x1x1x8x128xf32>
    %swap3A_324 = vector.shape_cast %swap3A_323 : vector<1x1x1x8x128xf32> to vector<8x128xf32>
    %swap3A_325 = vector.shape_cast %slice3A_317 : vector<8x128xf32> to vector<1x1x1x8x128xf32>
    tpu.vector_store %arg2[%swap3A_318, %swap3A_319, %swap3A_320, %swap3A_321, %swap3A_322], %swap3A_325 {strides = array<i32>} : memref<1x8x15x8x128xf32, #tpu.memory_space<vmem>>, vector<1x1x1x8x128xf32>,
    %slice3A_326 = vector.extract_strided_slice %roll3A {offsets = [16, 768], sizes = [8, 128], strides = [1, 1]} : vector<64x2048xf32> to vector<8x128xf32>
    %swap3A_327 = arith.constant 0 : index
    %swap3A_328 = arith.constant 2 : index
    %swap3A_329 = arith.constant 6 : index
    %swap3A_330 = arith.constant 0 : index
    %swap3A_331 = arith.constant 0 : index
    %swap3A_332 = vector.load %arg2[%swap3A_327, %swap3A_328, %swap3A_329, %swap3A_330, %swap3A_331] : memref<1x8x15x8x128xf32, #tpu.memory_space<vmem>>, vector<1x1x1x8x128xf32>
    %swap3A_333 = vector.shape_cast %swap3A_332 : vector<1x1x1x8x128xf32> to vector<8x128xf32>
    %swap3A_334 = vector.shape_cast %slice3A_326 : vector<8x128xf32> to vector<1x1x1x8x128xf32>
    tpu.vector_store %arg2[%swap3A_327, %swap3A_328, %swap3A_329, %swap3A_330, %swap3A_331], %swap3A_334 {strides = array<i32>} : memref<1x8x15x8x128xf32, #tpu.memory_space<vmem>>, vector<1x1x1x8x128xf32>,
    %slice3A_335 = vector.extract_strided_slice %roll3A {offsets = [16, 896], sizes = [8, 128], strides = [1, 1]} : vector<64x2048xf32> to vector<8x128xf32>
    %swap3A_336 = arith.constant 0 : index
    %swap3A_337 = arith.constant 2 : index
    %swap3A_338 = arith.constant 7 : index
    %swap3A_339 = arith.constant 0 : index
    %swap3A_340 = arith.constant 0 : index
    %swap3A_341 = vector.load %arg2[%swap3A_336, %swap3A_337, %swap3A_338, %swap3A_339, %swap3A_340] : memref<1x8x15x8x128xf32, #tpu.memory_space<vmem>>, vector<1x1x1x8x128xf32>
    %swap3A_342 = vector.shape_cast %swap3A_341 : vector<1x1x1x8x128xf32> to vector<8x128xf32>
    %swap3A_343 = vector.shape_cast %slice3A_335 : vector<8x128xf32> to vector<1x1x1x8x128xf32>
    tpu.vector_store %arg2[%swap3A_336, %swap3A_337, %swap3A_338, %swap3A_339, %swap3A_340], %swap3A_343 {strides = array<i32>} : memref<1x8x15x8x128xf32, #tpu.memory_space<vmem>>, vector<1x1x1x8x128xf32>,
    %slice3A_344 = vector.extract_strided_slice %roll3A {offsets = [16, 1024], sizes = [8, 128], strides = [1, 1]} : vector<64x2048xf32> to vector<8x128xf32>
    %swap3A_345 = arith.constant 0 : index
    %swap3A_346 = arith.constant 2 : index
    %swap3A_347 = arith.constant 8 : index
    %swap3A_348 = arith.constant 0 : index
    %swap3A_349 = arith.constant 0 : index
    %swap3A_350 = vector.load %arg2[%swap3A_345, %swap3A_346, %swap3A_347, %swap3A_348, %swap3A_349] : memref<1x8x15x8x128xf32, #tpu.memory_space<vmem>>, vector<1x1x1x8x128xf32>
    %swap3A_351 = vector.shape_cast %swap3A_350 : vector<1x1x1x8x128xf32> to vector<8x128xf32>
    %swap3A_352 = vector.shape_cast %slice3A_344 : vector<8x128xf32> to vector<1x1x1x8x128xf32>
    tpu.vector_store %arg2[%swap3A_345, %swap3A_346, %swap3A_347, %swap3A_348, %swap3A_349], %swap3A_352 {strides = array<i32>} : memref<1x8x15x8x128xf32, #tpu.memory_space<vmem>>, vector<1x1x1x8x128xf32>,
    %slice3A_353 = vector.extract_strided_slice %roll3A {offsets = [16, 1152], sizes = [8, 128], strides = [1, 1]} : vector<64x2048xf32> to vector<8x128xf32>
    %swap3A_354 = arith.constant 0 : index
    %swap3A_355 = arith.constant 2 : index
    %swap3A_356 = arith.constant 9 : index
    %swap3A_357 = arith.constant 0 : index
    %swap3A_358 = arith.constant 0 : index
    %swap3A_359 = vector.load %arg2[%swap3A_354, %swap3A_355, %swap3A_356, %swap3A_357, %swap3A_358] : memref<1x8x15x8x128xf32, #tpu.memory_space<vmem>>, vector<1x1x1x8x128xf32>
    %swap3A_360 = vector.shape_cast %swap3A_359 : vector<1x1x1x8x128xf32> to vector<8x128xf32>
    %swap3A_361 = vector.shape_cast %slice3A_353 : vector<8x128xf32> to vector<1x1x1x8x128xf32>
    tpu.vector_store %arg2[%swap3A_354, %swap3A_355, %swap3A_356, %swap3A_357, %swap3A_358], %swap3A_361 {strides = array<i32>} : memref<1x8x15x8x128xf32, #tpu.memory_space<vmem>>, vector<1x1x1x8x128xf32>,
    %slice3A_362 = vector.extract_strided_slice %roll3A {offsets = [16, 1280], sizes = [8, 128], strides = [1, 1]} : vector<64x2048xf32> to vector<8x128xf32>
    %swap3A_363 = arith.constant 0 : index
    %swap3A_364 = arith.constant 2 : index
    %swap3A_365 = arith.constant 10 : index
    %swap3A_366 = arith.constant 0 : index
    %swap3A_367 = arith.constant 0 : index
    %swap3A_368 = vector.load %arg2[%swap3A_363, %swap3A_364, %swap3A_365, %swap3A_366, %swap3A_367] : memref<1x8x15x8x128xf32, #tpu.memory_space<vmem>>, vector<1x1x1x8x128xf32>
    %swap3A_369 = vector.shape_cast %swap3A_368 : vector<1x1x1x8x128xf32> to vector<8x128xf32>
    %swap3A_370 = vector.shape_cast %slice3A_362 : vector<8x128xf32> to vector<1x1x1x8x128xf32>
    tpu.vector_store %arg2[%swap3A_363, %swap3A_364, %swap3A_365, %swap3A_366, %swap3A_367], %swap3A_370 {strides = array<i32>} : memref<1x8x15x8x128xf32, #tpu.memory_space<vmem>>, vector<1x1x1x8x128xf32>,
    %slice3A_371 = vector.extract_strided_slice %roll3A {offsets = [16, 1408], sizes = [8, 128], strides = [1, 1]} : vector<64x2048xf32> to vector<8x128xf32>
    %swap3A_372 = arith.constant 0 : index
    %swap3A_373 = arith.constant 2 : index
    %swap3A_374 = arith.constant 11 : index
    %swap3A_375 = arith.constant 0 : index
    %swap3A_376 = arith.constant 0 : index
    %swap3A_377 = vector.load %arg2[%swap3A_372, %swap3A_373, %swap3A_374, %swap3A_375, %swap3A_376] : memref<1x8x15x8x128xf32, #tpu.memory_space<vmem>>, vector<1x1x1x8x128xf32>
    %swap3A_378 = vector.shape_cast %swap3A_377 : vector<1x1x1x8x128xf32> to vector<8x128xf32>
    %swap3A_379 = vector.shape_cast %slice3A_371 : vector<8x128xf32> to vector<1x1x1x8x128xf32>
    tpu.vector_store %arg2[%swap3A_372, %swap3A_373, %swap3A_374, %swap3A_375, %swap3A_376], %swap3A_379 {strides = array<i32>} : memref<1x8x15x8x128xf32, #tpu.memory_space<vmem>>, vector<1x1x1x8x128xf32>,
    %slice3A_380 = vector.extract_strided_slice %roll3A {offsets = [16, 1536], sizes = [8, 128], strides = [1, 1]} : vector<64x2048xf32> to vector<8x128xf32>
    %swap3A_381 = arith.constant 0 : index
    %swap3A_382 = arith.constant 2 : index
    %swap3A_383 = arith.constant 12 : index
    %swap3A_384 = arith.constant 0 : index
    %swap3A_385 = arith.constant 0 : index
    %swap3A_386 = vector.load %arg2[%swap3A_381, %swap3A_382, %swap3A_383, %swap3A_384, %swap3A_385] : memref<1x8x15x8x128xf32, #tpu.memory_space<vmem>>, vector<1x1x1x8x128xf32>
    %swap3A_387 = vector.shape_cast %swap3A_386 : vector<1x1x1x8x128xf32> to vector<8x128xf32>
    %swap3A_388 = vector.shape_cast %slice3A_380 : vector<8x128xf32> to vector<1x1x1x8x128xf32>
    tpu.vector_store %arg2[%swap3A_381, %swap3A_382, %swap3A_383, %swap3A_384, %swap3A_385], %swap3A_388 {strides = array<i32>} : memref<1x8x15x8x128xf32, #tpu.memory_space<vmem>>, vector<1x1x1x8x128xf32>,
    %slice3A_389 = vector.extract_strided_slice %roll3A {offsets = [16, 1664], sizes = [8, 128], strides = [1, 1]} : vector<64x2048xf32> to vector<8x128xf32>
    %swap3A_390 = arith.constant 0 : index
    %swap3A_391 = arith.constant 2 : index
    %swap3A_392 = arith.constant 13 : index
    %swap3A_393 = arith.constant 0 : index
    %swap3A_394 = arith.constant 0 : index
    %swap3A_395 = vector.load %arg2[%swap3A_390, %swap3A_391, %swap3A_392, %swap3A_393, %swap3A_394] : memref<1x8x15x8x128xf32, #tpu.memory_space<vmem>>, vector<1x1x1x8x128xf32>
    %swap3A_396 = vector.shape_cast %swap3A_395 : vector<1x1x1x8x128xf32> to vector<8x128xf32>
    %swap3A_397 = vector.shape_cast %slice3A_389 : vector<8x128xf32> to vector<1x1x1x8x128xf32>
    tpu.vector_store %arg2[%swap3A_390, %swap3A_391, %swap3A_392, %swap3A_393, %swap3A_394], %swap3A_397 {strides = array<i32>} : memref<1x8x15x8x128xf32, #tpu.memory_space<vmem>>, vector<1x1x1x8x128xf32>,
    %slice3A_398 = vector.extract_strided_slice %roll3A {offsets = [16, 1792], sizes = [8, 128], strides = [1, 1]} : vector<64x2048xf32> to vector<8x128xf32>
    %swap3A_399 = arith.constant 0 : index
    %swap3A_400 = arith.constant 2 : index
    %swap3A_401 = arith.constant 14 : index
    %swap3A_402 = arith.constant 0 : index
    %swap3A_403 = arith.constant 0 : index
    %swap3A_404 = vector.load %arg2[%swap3A_399, %swap3A_400, %swap3A_401, %swap3A_402, %swap3A_403] : memref<1x8x15x8x128xf32, #tpu.memory_space<vmem>>, vector<1x1x1x8x128xf32>
    %swap3A_405 = vector.shape_cast %swap3A_404 : vector<1x1x1x8x128xf32> to vector<8x128xf32>
    %swap3A_406 = vector.shape_cast %slice3A_398 : vector<8x128xf32> to vector<1x1x1x8x128xf32>
    tpu.vector_store %arg2[%swap3A_399, %swap3A_400, %swap3A_401, %swap3A_402, %swap3A_403], %swap3A_406 {strides = array<i32>} : memref<1x8x15x8x128xf32, #tpu.memory_space<vmem>>, vector<1x1x1x8x128xf32>,
    %slice3A_407 = vector.extract_strided_slice %roll3A {offsets = [24, 0], sizes = [8, 128], strides = [1, 1]} : vector<64x2048xf32> to vector<8x128xf32>
    %swap3A_408 = arith.constant 0 : index
    %swap3A_409 = arith.constant 3 : index
    %swap3A_410 = arith.constant 0 : index
    %swap3A_411 = arith.constant 0 : index
    %swap3A_412 = arith.constant 0 : index
    %swap3A_413 = vector.load %arg2[%swap3A_408, %swap3A_409, %swap3A_410, %swap3A_411, %swap3A_412] : memref<1x8x15x8x128xf32, #tpu.memory_space<vmem>>, vector<1x1x1x8x128xf32>
    %swap3A_414 = vector.shape_cast %swap3A_413 : vector<1x1x1x8x128xf32> to vector<8x128xf32>
    %swap3A_415 = vector.shape_cast %slice3A_407 : vector<8x128xf32> to vector<1x1x1x8x128xf32>
    tpu.vector_store %arg2[%swap3A_408, %swap3A_409, %swap3A_410, %swap3A_411, %swap3A_412], %swap3A_415 {strides = array<i32>} : memref<1x8x15x8x128xf32, #tpu.memory_space<vmem>>, vector<1x1x1x8x128xf32>,
    %slice3A_416 = vector.extract_strided_slice %roll3A {offsets = [24, 128], sizes = [8, 128], strides = [1, 1]} : vector<64x2048xf32> to vector<8x128xf32>
    %swap3A_417 = arith.constant 0 : index
    %swap3A_418 = arith.constant 3 : index
    %swap3A_419 = arith.constant 1 : index
    %swap3A_420 = arith.constant 0 : index
    %swap3A_421 = arith.constant 0 : index
    %swap3A_422 = vector.load %arg2[%swap3A_417, %swap3A_418, %swap3A_419, %swap3A_420, %swap3A_421] : memref<1x8x15x8x128xf32, #tpu.memory_space<vmem>>, vector<1x1x1x8x128xf32>
    %swap3A_423 = vector.shape_cast %swap3A_422 : vector<1x1x1x8x128xf32> to vector<8x128xf32>
    %swap3A_424 = vector.shape_cast %slice3A_416 : vector<8x128xf32> to vector<1x1x1x8x128xf32>
    tpu.vector_store %arg2[%swap3A_417, %swap3A_418, %swap3A_419, %swap3A_420, %swap3A_421], %swap3A_424 {strides = array<i32>} : memref<1x8x15x8x128xf32, #tpu.memory_space<vmem>>, vector<1x1x1x8x128xf32>,
    %slice3A_425 = vector.extract_strided_slice %roll3A {offsets = [24, 256], sizes = [8, 128], strides = [1, 1]} : vector<64x2048xf32> to vector<8x128xf32>
    %swap3A_426 = arith.constant 0 : index
    %swap3A_427 = arith.constant 3 : index
    %swap3A_428 = arith.constant 2 : index
    %swap3A_429 = arith.constant 0 : index
    %swap3A_430 = arith.constant 0 : index
    %swap3A_431 = vector.load %arg2[%swap3A_426, %swap3A_427, %swap3A_428, %swap3A_429, %swap3A_430] : memref<1x8x15x8x128xf32, #tpu.memory_space<vmem>>, vector<1x1x1x8x128xf32>
    %swap3A_432 = vector.shape_cast %swap3A_431 : vector<1x1x1x8x128xf32> to vector<8x128xf32>
    %swap3A_433 = vector.shape_cast %slice3A_425 : vector<8x128xf32> to vector<1x1x1x8x128xf32>
    tpu.vector_store %arg2[%swap3A_426, %swap3A_427, %swap3A_428, %swap3A_429, %swap3A_430], %swap3A_433 {strides = array<i32>} : memref<1x8x15x8x128xf32, #tpu.memory_space<vmem>>, vector<1x1x1x8x128xf32>,
    %slice3A_434 = vector.extract_strided_slice %roll3A {offsets = [24, 384], sizes = [8, 128], strides = [1, 1]} : vector<64x2048xf32> to vector<8x128xf32>
    %swap3A_435 = arith.constant 0 : index
    %swap3A_436 = arith.constant 3 : index
    %swap3A_437 = arith.constant 3 : index
    %swap3A_438 = arith.constant 0 : index
    %swap3A_439 = arith.constant 0 : index
    %swap3A_440 = vector.load %arg2[%swap3A_435, %swap3A_436, %swap3A_437, %swap3A_438, %swap3A_439] : memref<1x8x15x8x128xf32, #tpu.memory_space<vmem>>, vector<1x1x1x8x128xf32>
    %swap3A_441 = vector.shape_cast %swap3A_440 : vector<1x1x1x8x128xf32> to vector<8x128xf32>
    %swap3A_442 = vector.shape_cast %slice3A_434 : vector<8x128xf32> to vector<1x1x1x8x128xf32>
    tpu.vector_store %arg2[%swap3A_435, %swap3A_436, %swap3A_437, %swap3A_438, %swap3A_439], %swap3A_442 {strides = array<i32>} : memref<1x8x15x8x128xf32, #tpu.memory_space<vmem>>, vector<1x1x1x8x128xf32>,
    %slice3A_443 = vector.extract_strided_slice %roll3A {offsets = [24, 512], sizes = [8, 128], strides = [1, 1]} : vector<64x2048xf32> to vector<8x128xf32>
    %swap3A_444 = arith.constant 0 : index
    %swap3A_445 = arith.constant 3 : index
    %swap3A_446 = arith.constant 4 : index
    %swap3A_447 = arith.constant 0 : index
    %swap3A_448 = arith.constant 0 : index
    %swap3A_449 = vector.load %arg2[%swap3A_444, %swap3A_445, %swap3A_446, %swap3A_447, %swap3A_448] : memref<1x8x15x8x128xf32, #tpu.memory_space<vmem>>, vector<1x1x1x8x128xf32>
    %swap3A_450 = vector.shape_cast %swap3A_449 : vector<1x1x1x8x128xf32> to vector<8x128xf32>
    %swap3A_451 = vector.shape_cast %slice3A_443 : vector<8x128xf32> to vector<1x1x1x8x128xf32>
    tpu.vector_store %arg2[%swap3A_444, %swap3A_445, %swap3A_446, %swap3A_447, %swap3A_448], %swap3A_451 {strides = array<i32>} : memref<1x8x15x8x128xf32, #tpu.memory_space<vmem>>, vector<1x1x1x8x128xf32>,
    %slice3A_452 = vector.extract_strided_slice %roll3A {offsets = [24, 640], sizes = [8, 128], strides = [1, 1]} : vector<64x2048xf32> to vector<8x128xf32>
    %swap3A_453 = arith.constant 0 : index
    %swap3A_454 = arith.constant 3 : index
    %swap3A_455 = arith.constant 5 : index
    %swap3A_456 = arith.constant 0 : index
    %swap3A_457 = arith.constant 0 : index
    %swap3A_458 = vector.load %arg2[%swap3A_453, %swap3A_454, %swap3A_455, %swap3A_456, %swap3A_457] : memref<1x8x15x8x128xf32, #tpu.memory_space<vmem>>, vector<1x1x1x8x128xf32>
    %swap3A_459 = vector.shape_cast %swap3A_458 : vector<1x1x1x8x128xf32> to vector<8x128xf32>
    %swap3A_460 = vector.shape_cast %slice3A_452 : vector<8x128xf32> to vector<1x1x1x8x128xf32>
    tpu.vector_store %arg2[%swap3A_453, %swap3A_454, %swap3A_455, %swap3A_456, %swap3A_457], %swap3A_460 {strides = array<i32>} : memref<1x8x15x8x128xf32, #tpu.memory_space<vmem>>, vector<1x1x1x8x128xf32>,
    %slice3A_461 = vector.extract_strided_slice %roll3A {offsets = [24, 768], sizes = [8, 128], strides = [1, 1]} : vector<64x2048xf32> to vector<8x128xf32>
    %swap3A_462 = arith.constant 0 : index
    %swap3A_463 = arith.constant 3 : index
    %swap3A_464 = arith.constant 6 : index
    %swap3A_465 = arith.constant 0 : index
    %swap3A_466 = arith.constant 0 : index
    %swap3A_467 = vector.load %arg2[%swap3A_462, %swap3A_463, %swap3A_464, %swap3A_465, %swap3A_466] : memref<1x8x15x8x128xf32, #tpu.memory_space<vmem>>, vector<1x1x1x8x128xf32>
    %swap3A_468 = vector.shape_cast %swap3A_467 : vector<1x1x1x8x128xf32> to vector<8x128xf32>
    %swap3A_469 = vector.shape_cast %slice3A_461 : vector<8x128xf32> to vector<1x1x1x8x128xf32>
    tpu.vector_store %arg2[%swap3A_462, %swap3A_463, %swap3A_464, %swap3A_465, %swap3A_466], %swap3A_469 {strides = array<i32>} : memref<1x8x15x8x128xf32, #tpu.memory_space<vmem>>, vector<1x1x1x8x128xf32>,
    %slice3A_470 = vector.extract_strided_slice %roll3A {offsets = [24, 896], sizes = [8, 128], strides = [1, 1]} : vector<64x2048xf32> to vector<8x128xf32>
    %swap3A_471 = arith.constant 0 : index
    %swap3A_472 = arith.constant 3 : index
    %swap3A_473 = arith.constant 7 : index
    %swap3A_474 = arith.constant 0 : index
    %swap3A_475 = arith.constant 0 : index
    %swap3A_476 = vector.load %arg2[%swap3A_471, %swap3A_472, %swap3A_473, %swap3A_474, %swap3A_475] : memref<1x8x15x8x128xf32, #tpu.memory_space<vmem>>, vector<1x1x1x8x128xf32>
    %swap3A_477 = vector.shape_cast %swap3A_476 : vector<1x1x1x8x128xf32> to vector<8x128xf32>
    %swap3A_478 = vector.shape_cast %slice3A_470 : vector<8x128xf32> to vector<1x1x1x8x128xf32>
    tpu.vector_store %arg2[%swap3A_471, %swap3A_472, %swap3A_473, %swap3A_474, %swap3A_475], %swap3A_478 {strides = array<i32>} : memref<1x8x15x8x128xf32, #tpu.memory_space<vmem>>, vector<1x1x1x8x128xf32>,
    %slice3A_479 = vector.extract_strided_slice %roll3A {offsets = [24, 1024], sizes = [8, 128], strides = [1, 1]} : vector<64x2048xf32> to vector<8x128xf32>
    %swap3A_480 = arith.constant 0 : index
    %swap3A_481 = arith.constant 3 : index
    %swap3A_482 = arith.constant 8 : index
    %swap3A_483 = arith.constant 0 : index
    %swap3A_484 = arith.constant 0 : index
    %swap3A_485 = vector.load %arg2[%swap3A_480, %swap3A_481, %swap3A_482, %swap3A_483, %swap3A_484] : memref<1x8x15x8x128xf32, #tpu.memory_space<vmem>>, vector<1x1x1x8x128xf32>
    %swap3A_486 = vector.shape_cast %swap3A_485 : vector<1x1x1x8x128xf32> to vector<8x128xf32>
    %swap3A_487 = vector.shape_cast %slice3A_479 : vector<8x128xf32> to vector<1x1x1x8x128xf32>
    tpu.vector_store %arg2[%swap3A_480, %swap3A_481, %swap3A_482, %swap3A_483, %swap3A_484], %swap3A_487 {strides = array<i32>} : memref<1x8x15x8x128xf32, #tpu.memory_space<vmem>>, vector<1x1x1x8x128xf32>,
    %slice3A_488 = vector.extract_strided_slice %roll3A {offsets = [24, 1152], sizes = [8, 128], strides = [1, 1]} : vector<64x2048xf32> to vector<8x128xf32>
    %swap3A_489 = arith.constant 0 : index
    %swap3A_490 = arith.constant 3 : index
    %swap3A_491 = arith.constant 9 : index
    %swap3A_492 = arith.constant 0 : index
    %swap3A_493 = arith.constant 0 : index
    %swap3A_494 = vector.load %arg2[%swap3A_489, %swap3A_490, %swap3A_491, %swap3A_492, %swap3A_493] : memref<1x8x15x8x128xf32, #tpu.memory_space<vmem>>, vector<1x1x1x8x128xf32>
    %swap3A_495 = vector.shape_cast %swap3A_494 : vector<1x1x1x8x128xf32> to vector<8x128xf32>
    %swap3A_496 = vector.shape_cast %slice3A_488 : vector<8x128xf32> to vector<1x1x1x8x128xf32>
    tpu.vector_store %arg2[%swap3A_489, %swap3A_490, %swap3A_491, %swap3A_492, %swap3A_493], %swap3A_496 {strides = array<i32>} : memref<1x8x15x8x128xf32, #tpu.memory_space<vmem>>, vector<1x1x1x8x128xf32>,
    %slice3A_497 = vector.extract_strided_slice %roll3A {offsets = [24, 1280], sizes = [8, 128], strides = [1, 1]} : vector<64x2048xf32> to vector<8x128xf32>
    %swap3A_498 = arith.constant 0 : index
    %swap3A_499 = arith.constant 3 : index
    %swap3A_500 = arith.constant 10 : index
    %swap3A_501 = arith.constant 0 : index
    %swap3A_502 = arith.constant 0 : index
    %swap3A_503 = vector.load %arg2[%swap3A_498, %swap3A_499, %swap3A_500, %swap3A_501, %swap3A_502] : memref<1x8x15x8x128xf32, #tpu.memory_space<vmem>>, vector<1x1x1x8x128xf32>
    %swap3A_504 = vector.shape_cast %swap3A_503 : vector<1x1x1x8x128xf32> to vector<8x128xf32>
    %swap3A_505 = vector.shape_cast %slice3A_497 : vector<8x128xf32> to vector<1x1x1x8x128xf32>
    tpu.vector_store %arg2[%swap3A_498, %swap3A_499, %swap3A_500, %swap3A_501, %swap3A_502], %swap3A_505 {strides = array<i32>} : memref<1x8x15x8x128xf32, #tpu.memory_space<vmem>>, vector<1x1x1x8x128xf32>,
    %slice3A_506 = vector.extract_strided_slice %roll3A {offsets = [24, 1408], sizes = [8, 128], strides = [1, 1]} : vector<64x2048xf32> to vector<8x128xf32>
    %swap3A_507 = arith.constant 0 : index
    %swap3A_508 = arith.constant 3 : index
    %swap3A_509 = arith.constant 11 : index
    %swap3A_510 = arith.constant 0 : index
    %swap3A_511 = arith.constant 0 : index
    %swap3A_512 = vector.load %arg2[%swap3A_507, %swap3A_508, %swap3A_509, %swap3A_510, %swap3A_511] : memref<1x8x15x8x128xf32, #tpu.memory_space<vmem>>, vector<1x1x1x8x128xf32>
    %swap3A_513 = vector.shape_cast %swap3A_512 : vector<1x1x1x8x128xf32> to vector<8x128xf32>
    %swap3A_514 = vector.shape_cast %slice3A_506 : vector<8x128xf32> to vector<1x1x1x8x128xf32>
    tpu.vector_store %arg2[%swap3A_507, %swap3A_508, %swap3A_509, %swap3A_510, %swap3A_511], %swap3A_514 {strides = array<i32>} : memref<1x8x15x8x128xf32, #tpu.memory_space<vmem>>, vector<1x1x1x8x128xf32>,
    %slice3A_515 = vector.extract_strided_slice %roll3A {offsets = [24, 1536], sizes = [8, 128], strides = [1, 1]} : vector<64x2048xf32> to vector<8x128xf32>
    %swap3A_516 = arith.constant 0 : index
    %swap3A_517 = arith.constant 3 : index
    %swap3A_518 = arith.constant 12 : index
    %swap3A_519 = arith.constant 0 : index
    %swap3A_520 = arith.constant 0 : index
    %swap3A_521 = vector.load %arg2[%swap3A_516, %swap3A_517, %swap3A_518, %swap3A_519, %swap3A_520] : memref<1x8x15x8x128xf32, #tpu.memory_space<vmem>>, vector<1x1x1x8x128xf32>
    %swap3A_522 = vector.shape_cast %swap3A_521 : vector<1x1x1x8x128xf32> to vector<8x128xf32>
    %swap3A_523 = vector.shape_cast %slice3A_515 : vector<8x128xf32> to vector<1x1x1x8x128xf32>
    tpu.vector_store %arg2[%swap3A_516, %swap3A_517, %swap3A_518, %swap3A_519, %swap3A_520], %swap3A_523 {strides = array<i32>} : memref<1x8x15x8x128xf32, #tpu.memory_space<vmem>>, vector<1x1x1x8x128xf32>,
    %slice3A_524 = vector.extract_strided_slice %roll3A {offsets = [24, 1664], sizes = [8, 128], strides = [1, 1]} : vector<64x2048xf32> to vector<8x128xf32>
    %swap3A_525 = arith.constant 0 : index
    %swap3A_526 = arith.constant 3 : index
    %swap3A_527 = arith.constant 13 : index
    %swap3A_528 = arith.constant 0 : index
    %swap3A_529 = arith.constant 0 : index
    %swap3A_530 = vector.load %arg2[%swap3A_525, %swap3A_526, %swap3A_527, %swap3A_528, %swap3A_529] : memref<1x8x15x8x128xf32, #tpu.memory_space<vmem>>, vector<1x1x1x8x128xf32>
    %swap3A_531 = vector.shape_cast %swap3A_530 : vector<1x1x1x8x128xf32> to vector<8x128xf32>
    %swap3A_532 = vector.shape_cast %slice3A_524 : vector<8x128xf32> to vector<1x1x1x8x128xf32>
    tpu.vector_store %arg2[%swap3A_525, %swap3A_526, %swap3A_527, %swap3A_528, %swap3A_529], %swap3A_532 {strides = array<i32>} : memref<1x8x15x8x128xf32, #tpu.memory_space<vmem>>, vector<1x1x1x8x128xf32>,
    %slice3A_533 = vector.extract_strided_slice %roll3A {offsets = [24, 1792], sizes = [8, 128], strides = [1, 1]} : vector<64x2048xf32> to vector<8x128xf32>
    %swap3A_534 = arith.constant 0 : index
    %swap3A_535 = arith.constant 3 : index
    %swap3A_536 = arith.constant 14 : index
    %swap3A_537 = arith.constant 0 : index
    %swap3A_538 = arith.constant 0 : index
    %swap3A_539 = vector.load %arg2[%swap3A_534, %swap3A_535, %swap3A_536, %swap3A_537, %swap3A_538] : memref<1x8x15x8x128xf32, #tpu.memory_space<vmem>>, vector<1x1x1x8x128xf32>
    %swap3A_540 = vector.shape_cast %swap3A_539 : vector<1x1x1x8x128xf32> to vector<8x128xf32>
    %swap3A_541 = vector.shape_cast %slice3A_533 : vector<8x128xf32> to vector<1x1x1x8x128xf32>
    tpu.vector_store %arg2[%swap3A_534, %swap3A_535, %swap3A_536, %swap3A_537, %swap3A_538], %swap3A_541 {strides = array<i32>} : memref<1x8x15x8x128xf32, #tpu.memory_space<vmem>>, vector<1x1x1x8x128xf32>,
    %slice3A_542 = vector.extract_strided_slice %roll3A {offsets = [32, 0], sizes = [8, 128], strides = [1, 1]} : vector<64x2048xf32> to vector<8x128xf32>
    %swap3A_543 = arith.constant 0 : index
    %swap3A_544 = arith.constant 4 : index
    %swap3A_545 = arith.constant 0 : index
    %swap3A_546 = arith.constant 0 : index
    %swap3A_547 = arith.constant 0 : index
    %swap3A_548 = vector.load %arg2[%swap3A_543, %swap3A_544, %swap3A_545, %swap3A_546, %swap3A_547] : memref<1x8x15x8x128xf32, #tpu.memory_space<vmem>>, vector<1x1x1x8x128xf32>
    %swap3A_549 = vector.shape_cast %swap3A_548 : vector<1x1x1x8x128xf32> to vector<8x128xf32>
    %swap3A_550 = vector.shape_cast %slice3A_542 : vector<8x128xf32> to vector<1x1x1x8x128xf32>
    tpu.vector_store %arg2[%swap3A_543, %swap3A_544, %swap3A_545, %swap3A_546, %swap3A_547], %swap3A_550 {strides = array<i32>} : memref<1x8x15x8x128xf32, #tpu.memory_space<vmem>>, vector<1x1x1x8x128xf32>,
    %slice3A_551 = vector.extract_strided_slice %roll3A {offsets = [32, 128], sizes = [8, 128], strides = [1, 1]} : vector<64x2048xf32> to vector<8x128xf32>
    %swap3A_552 = arith.constant 0 : index
    %swap3A_553 = arith.constant 4 : index
    %swap3A_554 = arith.constant 1 : index
    %swap3A_555 = arith.constant 0 : index
    %swap3A_556 = arith.constant 0 : index
    %swap3A_557 = vector.load %arg2[%swap3A_552, %swap3A_553, %swap3A_554, %swap3A_555, %swap3A_556] : memref<1x8x15x8x128xf32, #tpu.memory_space<vmem>>, vector<1x1x1x8x128xf32>
    %swap3A_558 = vector.shape_cast %swap3A_557 : vector<1x1x1x8x128xf32> to vector<8x128xf32>
    %swap3A_559 = vector.shape_cast %slice3A_551 : vector<8x128xf32> to vector<1x1x1x8x128xf32>
    tpu.vector_store %arg2[%swap3A_552, %swap3A_553, %swap3A_554, %swap3A_555, %swap3A_556], %swap3A_559 {strides = array<i32>} : memref<1x8x15x8x128xf32, #tpu.memory_space<vmem>>, vector<1x1x1x8x128xf32>,
    %slice3A_560 = vector.extract_strided_slice %roll3A {offsets = [32, 256], sizes = [8, 128], strides = [1, 1]} : vector<64x2048xf32> to vector<8x128xf32>
    %swap3A_561 = arith.constant 0 : index
    %swap3A_562 = arith.constant 4 : index
    %swap3A_563 = arith.constant 2 : index
    %swap3A_564 = arith.constant 0 : index
    %swap3A_565 = arith.constant 0 : index
    %swap3A_566 = vector.load %arg2[%swap3A_561, %swap3A_562, %swap3A_563, %swap3A_564, %swap3A_565] : memref<1x8x15x8x128xf32, #tpu.memory_space<vmem>>, vector<1x1x1x8x128xf32>
    %swap3A_567 = vector.shape_cast %swap3A_566 : vector<1x1x1x8x128xf32> to vector<8x128xf32>
    %swap3A_568 = vector.shape_cast %slice3A_560 : vector<8x128xf32> to vector<1x1x1x8x128xf32>
    tpu.vector_store %arg2[%swap3A_561, %swap3A_562, %swap3A_563, %swap3A_564, %swap3A_565], %swap3A_568 {strides = array<i32>} : memref<1x8x15x8x128xf32, #tpu.memory_space<vmem>>, vector<1x1x1x8x128xf32>,
    %slice3A_569 = vector.extract_strided_slice %roll3A {offsets = [32, 384], sizes = [8, 128], strides = [1, 1]} : vector<64x2048xf32> to vector<8x128xf32>
    %swap3A_570 = arith.constant 0 : index
    %swap3A_571 = arith.constant 4 : index
    %swap3A_572 = arith.constant 3 : index
    %swap3A_573 = arith.constant 0 : index
    %swap3A_574 = arith.constant 0 : index
    %swap3A_575 = vector.load %arg2[%swap3A_570, %swap3A_571, %swap3A_572, %swap3A_573, %swap3A_574] : memref<1x8x15x8x128xf32, #tpu.memory_space<vmem>>, vector<1x1x1x8x128xf32>
    %swap3A_576 = vector.shape_cast %swap3A_575 : vector<1x1x1x8x128xf32> to vector<8x128xf32>
    %swap3A_577 = vector.shape_cast %slice3A_569 : vector<8x128xf32> to vector<1x1x1x8x128xf32>
    tpu.vector_store %arg2[%swap3A_570, %swap3A_571, %swap3A_572, %swap3A_573, %swap3A_574], %swap3A_577 {strides = array<i32>} : memref<1x8x15x8x128xf32, #tpu.memory_space<vmem>>, vector<1x1x1x8x128xf32>,
    %slice3A_578 = vector.extract_strided_slice %roll3A {offsets = [32, 512], sizes = [8, 128], strides = [1, 1]} : vector<64x2048xf32> to vector<8x128xf32>
    %swap3A_579 = arith.constant 0 : index
    %swap3A_580 = arith.constant 4 : index
    %swap3A_581 = arith.constant 4 : index
    %swap3A_582 = arith.constant 0 : index
    %swap3A_583 = arith.constant 0 : index
    %swap3A_584 = vector.load %arg2[%swap3A_579, %swap3A_580, %swap3A_581, %swap3A_582, %swap3A_583] : memref<1x8x15x8x128xf32, #tpu.memory_space<vmem>>, vector<1x1x1x8x128xf32>
    %swap3A_585 = vector.shape_cast %swap3A_584 : vector<1x1x1x8x128xf32> to vector<8x128xf32>
    %swap3A_586 = vector.shape_cast %slice3A_578 : vector<8x128xf32> to vector<1x1x1x8x128xf32>
    tpu.vector_store %arg2[%swap3A_579, %swap3A_580, %swap3A_581, %swap3A_582, %swap3A_583], %swap3A_586 {strides = array<i32>} : memref<1x8x15x8x128xf32, #tpu.memory_space<vmem>>, vector<1x1x1x8x128xf32>,
    %slice3A_587 = vector.extract_strided_slice %roll3A {offsets = [32, 640], sizes = [8, 128], strides = [1, 1]} : vector<64x2048xf32> to vector<8x128xf32>
    %swap3A_588 = arith.constant 0 : index
    %swap3A_589 = arith.constant 4 : index
    %swap3A_590 = arith.constant 5 : index
    %swap3A_591 = arith.constant 0 : index
    %swap3A_592 = arith.constant 0 : index
    %swap3A_593 = vector.load %arg2[%swap3A_588, %swap3A_589, %swap3A_590, %swap3A_591, %swap3A_592] : memref<1x8x15x8x128xf32, #tpu.memory_space<vmem>>, vector<1x1x1x8x128xf32>
    %swap3A_594 = vector.shape_cast %swap3A_593 : vector<1x1x1x8x128xf32> to vector<8x128xf32>
    %swap3A_595 = vector.shape_cast %slice3A_587 : vector<8x128xf32> to vector<1x1x1x8x128xf32>
    tpu.vector_store %arg2[%swap3A_588, %swap3A_589, %swap3A_590, %swap3A_591, %swap3A_592], %swap3A_595 {strides = array<i32>} : memref<1x8x15x8x128xf32, #tpu.memory_space<vmem>>, vector<1x1x1x8x128xf32>,
    %slice3A_596 = vector.extract_strided_slice %roll3A {offsets = [32, 768], sizes = [8, 128], strides = [1, 1]} : vector<64x2048xf32> to vector<8x128xf32>
    %swap3A_597 = arith.constant 0 : index
    %swap3A_598 = arith.constant 4 : index
    %swap3A_599 = arith.constant 6 : index
    %swap3A_600 = arith.constant 0 : index
    %swap3A_601 = arith.constant 0 : index
    %swap3A_602 = vector.load %arg2[%swap3A_597, %swap3A_598, %swap3A_599, %swap3A_600, %swap3A_601] : memref<1x8x15x8x128xf32, #tpu.memory_space<vmem>>, vector<1x1x1x8x128xf32>
    %swap3A_603 = vector.shape_cast %swap3A_602 : vector<1x1x1x8x128xf32> to vector<8x128xf32>
    %swap3A_604 = vector.shape_cast %slice3A_596 : vector<8x128xf32> to vector<1x1x1x8x128xf32>
    tpu.vector_store %arg2[%swap3A_597, %swap3A_598, %swap3A_599, %swap3A_600, %swap3A_601], %swap3A_604 {strides = array<i32>} : memref<1x8x15x8x128xf32, #tpu.memory_space<vmem>>, vector<1x1x1x8x128xf32>,
    %slice3A_605 = vector.extract_strided_slice %roll3A {offsets = [32, 896], sizes = [8, 128], strides = [1, 1]} : vector<64x2048xf32> to vector<8x128xf32>
    %swap3A_606 = arith.constant 0 : index
    %swap3A_607 = arith.constant 4 : index
    %swap3A_608 = arith.constant 7 : index
    %swap3A_609 = arith.constant 0 : index
    %swap3A_610 = arith.constant 0 : index
    %swap3A_611 = vector.load %arg2[%swap3A_606, %swap3A_607, %swap3A_608, %swap3A_609, %swap3A_610] : memref<1x8x15x8x128xf32, #tpu.memory_space<vmem>>, vector<1x1x1x8x128xf32>
    %swap3A_612 = vector.shape_cast %swap3A_611 : vector<1x1x1x8x128xf32> to vector<8x128xf32>
    %swap3A_613 = vector.shape_cast %slice3A_605 : vector<8x128xf32> to vector<1x1x1x8x128xf32>
    tpu.vector_store %arg2[%swap3A_606, %swap3A_607, %swap3A_608, %swap3A_609, %swap3A_610], %swap3A_613 {strides = array<i32>} : memref<1x8x15x8x128xf32, #tpu.memory_space<vmem>>, vector<1x1x1x8x128xf32>,
    %slice3A_614 = vector.extract_strided_slice %roll3A {offsets = [32, 1024], sizes = [8, 128], strides = [1, 1]} : vector<64x2048xf32> to vector<8x128xf32>
    %swap3A_615 = arith.constant 0 : index
    %swap3A_616 = arith.constant 4 : index
    %swap3A_617 = arith.constant 8 : index
    %swap3A_618 = arith.constant 0 : index
    %swap3A_619 = arith.constant 0 : index
    %swap3A_620 = vector.load %arg2[%swap3A_615, %swap3A_616, %swap3A_617, %swap3A_618, %swap3A_619] : memref<1x8x15x8x128xf32, #tpu.memory_space<vmem>>, vector<1x1x1x8x128xf32>
    %swap3A_621 = vector.shape_cast %swap3A_620 : vector<1x1x1x8x128xf32> to vector<8x128xf32>
    %swap3A_622 = vector.shape_cast %slice3A_614 : vector<8x128xf32> to vector<1x1x1x8x128xf32>
    tpu.vector_store %arg2[%swap3A_615, %swap3A_616, %swap3A_617, %swap3A_618, %swap3A_619], %swap3A_622 {strides = array<i32>} : memref<1x8x15x8x128xf32, #tpu.memory_space<vmem>>, vector<1x1x1x8x128xf32>,
    %slice3A_623 = vector.extract_strided_slice %roll3A {offsets = [32, 1152], sizes = [8, 128], strides = [1, 1]} : vector<64x2048xf32> to vector<8x128xf32>
    %swap3A_624 = arith.constant 0 : index
    %swap3A_625 = arith.constant 4 : index
    %swap3A_626 = arith.constant 9 : index
    %swap3A_627 = arith.constant 0 : index
    %swap3A_628 = arith.constant 0 : index
    %swap3A_629 = vector.load %arg2[%swap3A_624, %swap3A_625, %swap3A_626, %swap3A_627, %swap3A_628] : memref<1x8x15x8x128xf32, #tpu.memory_space<vmem>>, vector<1x1x1x8x128xf32>
    %swap3A_630 = vector.shape_cast %swap3A_629 : vector<1x1x1x8x128xf32> to vector<8x128xf32>
    %swap3A_631 = vector.shape_cast %slice3A_623 : vector<8x128xf32> to vector<1x1x1x8x128xf32>
    tpu.vector_store %arg2[%swap3A_624, %swap3A_625, %swap3A_626, %swap3A_627, %swap3A_628], %swap3A_631 {strides = array<i32>} : memref<1x8x15x8x128xf32, #tpu.memory_space<vmem>>, vector<1x1x1x8x128xf32>,
    %slice3A_632 = vector.extract_strided_slice %roll3A {offsets = [32, 1280], sizes = [8, 128], strides = [1, 1]} : vector<64x2048xf32> to vector<8x128xf32>
    %swap3A_633 = arith.constant 0 : index
    %swap3A_634 = arith.constant 4 : index
    %swap3A_635 = arith.constant 10 : index
    %swap3A_636 = arith.constant 0 : index
    %swap3A_637 = arith.constant 0 : index
    %swap3A_638 = vector.load %arg2[%swap3A_633, %swap3A_634, %swap3A_635, %swap3A_636, %swap3A_637] : memref<1x8x15x8x128xf32, #tpu.memory_space<vmem>>, vector<1x1x1x8x128xf32>
    %swap3A_639 = vector.shape_cast %swap3A_638 : vector<1x1x1x8x128xf32> to vector<8x128xf32>
    %swap3A_640 = vector.shape_cast %slice3A_632 : vector<8x128xf32> to vector<1x1x1x8x128xf32>
    tpu.vector_store %arg2[%swap3A_633, %swap3A_634, %swap3A_635, %swap3A_636, %swap3A_637], %swap3A_640 {strides = array<i32>} : memref<1x8x15x8x128xf32, #tpu.memory_space<vmem>>, vector<1x1x1x8x128xf32>,
    %slice3A_641 = vector.extract_strided_slice %roll3A {offsets = [32, 1408], sizes = [8, 128], strides = [1, 1]} : vector<64x2048xf32> to vector<8x128xf32>
    %swap3A_642 = arith.constant 0 : index
    %swap3A_643 = arith.constant 4 : index
    %swap3A_644 = arith.constant 11 : index
    %swap3A_645 = arith.constant 0 : index
    %swap3A_646 = arith.constant 0 : index
    %swap3A_647 = vector.load %arg2[%swap3A_642, %swap3A_643, %swap3A_644, %swap3A_645, %swap3A_646] : memref<1x8x15x8x128xf32, #tpu.memory_space<vmem>>, vector<1x1x1x8x128xf32>
    %swap3A_648 = vector.shape_cast %swap3A_647 : vector<1x1x1x8x128xf32> to vector<8x128xf32>
    %swap3A_649 = vector.shape_cast %slice3A_641 : vector<8x128xf32> to vector<1x1x1x8x128xf32>
    tpu.vector_store %arg2[%swap3A_642, %swap3A_643, %swap3A_644, %swap3A_645, %swap3A_646], %swap3A_649 {strides = array<i32>} : memref<1x8x15x8x128xf32, #tpu.memory_space<vmem>>, vector<1x1x1x8x128xf32>,
    %slice3A_650 = vector.extract_strided_slice %roll3A {offsets = [32, 1536], sizes = [8, 128], strides = [1, 1]} : vector<64x2048xf32> to vector<8x128xf32>
    %swap3A_651 = arith.constant 0 : index
    %swap3A_652 = arith.constant 4 : index
    %swap3A_653 = arith.constant 12 : index
    %swap3A_654 = arith.constant 0 : index
    %swap3A_655 = arith.constant 0 : index
    %swap3A_656 = vector.load %arg2[%swap3A_651, %swap3A_652, %swap3A_653, %swap3A_654, %swap3A_655] : memref<1x8x15x8x128xf32, #tpu.memory_space<vmem>>, vector<1x1x1x8x128xf32>
    %swap3A_657 = vector.shape_cast %swap3A_656 : vector<1x1x1x8x128xf32> to vector<8x128xf32>
    %swap3A_658 = vector.shape_cast %slice3A_650 : vector<8x128xf32> to vector<1x1x1x8x128xf32>
    tpu.vector_store %arg2[%swap3A_651, %swap3A_652, %swap3A_653, %swap3A_654, %swap3A_655], %swap3A_658 {strides = array<i32>} : memref<1x8x15x8x128xf32, #tpu.memory_space<vmem>>, vector<1x1x1x8x128xf32>,
    %slice3A_659 = vector.extract_strided_slice %roll3A {offsets = [32, 1664], sizes = [8, 128], strides = [1, 1]} : vector<64x2048xf32> to vector<8x128xf32>
    %swap3A_660 = arith.constant 0 : index
    %swap3A_661 = arith.constant 4 : index
    %swap3A_662 = arith.constant 13 : index
    %swap3A_663 = arith.constant 0 : index
    %swap3A_664 = arith.constant 0 : index
    %swap3A_665 = vector.load %arg2[%swap3A_660, %swap3A_661, %swap3A_662, %swap3A_663, %swap3A_664] : memref<1x8x15x8x128xf32, #tpu.memory_space<vmem>>, vector<1x1x1x8x128xf32>
    %swap3A_666 = vector.shape_cast %swap3A_665 : vector<1x1x1x8x128xf32> to vector<8x128xf32>
    %swap3A_667 = vector.shape_cast %slice3A_659 : vector<8x128xf32> to vector<1x1x1x8x128xf32>
    tpu.vector_store %arg2[%swap3A_660, %swap3A_661, %swap3A_662, %swap3A_663, %swap3A_664], %swap3A_667 {strides = array<i32>} : memref<1x8x15x8x128xf32, #tpu.memory_space<vmem>>, vector<1x1x1x8x128xf32>,
    %slice3A_668 = vector.extract_strided_slice %roll3A {offsets = [32, 1792], sizes = [8, 128], strides = [1, 1]} : vector<64x2048xf32> to vector<8x128xf32>
    %swap3A_669 = arith.constant 0 : index
    %swap3A_670 = arith.constant 4 : index
    %swap3A_671 = arith.constant 14 : index
    %swap3A_672 = arith.constant 0 : index
    %swap3A_673 = arith.constant 0 : index
    %swap3A_674 = vector.load %arg2[%swap3A_669, %swap3A_670, %swap3A_671, %swap3A_672, %swap3A_673] : memref<1x8x15x8x128xf32, #tpu.memory_space<vmem>>, vector<1x1x1x8x128xf32>
    %swap3A_675 = vector.shape_cast %swap3A_674 : vector<1x1x1x8x128xf32> to vector<8x128xf32>
    %swap3A_676 = vector.shape_cast %slice3A_668 : vector<8x128xf32> to vector<1x1x1x8x128xf32>
    tpu.vector_store %arg2[%swap3A_669, %swap3A_670, %swap3A_671, %swap3A_672, %swap3A_673], %swap3A_676 {strides = array<i32>} : memref<1x8x15x8x128xf32, #tpu.memory_space<vmem>>, vector<1x1x1x8x128xf32>,
    %slice3A_677 = vector.extract_strided_slice %roll3A {offsets = [40, 0], sizes = [8, 128], strides = [1, 1]} : vector<64x2048xf32> to vector<8x128xf32>
    %swap3A_678 = arith.constant 0 : index
    %swap3A_679 = arith.constant 5 : index
    %swap3A_680 = arith.constant 0 : index
    %swap3A_681 = arith.constant 0 : index
    %swap3A_682 = arith.constant 0 : index
    %swap3A_683 = vector.load %arg2[%swap3A_678, %swap3A_679, %swap3A_680, %swap3A_681, %swap3A_682] : memref<1x8x15x8x128xf32, #tpu.memory_space<vmem>>, vector<1x1x1x8x128xf32>
    %swap3A_684 = vector.shape_cast %swap3A_683 : vector<1x1x1x8x128xf32> to vector<8x128xf32>
    %swap3A_685 = vector.shape_cast %slice3A_677 : vector<8x128xf32> to vector<1x1x1x8x128xf32>
    tpu.vector_store %arg2[%swap3A_678, %swap3A_679, %swap3A_680, %swap3A_681, %swap3A_682], %swap3A_685 {strides = array<i32>} : memref<1x8x15x8x128xf32, #tpu.memory_space<vmem>>, vector<1x1x1x8x128xf32>,
    %slice3A_686 = vector.extract_strided_slice %roll3A {offsets = [40, 128], sizes = [8, 128], strides = [1, 1]} : vector<64x2048xf32> to vector<8x128xf32>
    %swap3A_687 = arith.constant 0 : index
    %swap3A_688 = arith.constant 5 : index
    %swap3A_689 = arith.constant 1 : index
    %swap3A_690 = arith.constant 0 : index
    %swap3A_691 = arith.constant 0 : index
    %swap3A_692 = vector.load %arg2[%swap3A_687, %swap3A_688, %swap3A_689, %swap3A_690, %swap3A_691] : memref<1x8x15x8x128xf32, #tpu.memory_space<vmem>>, vector<1x1x1x8x128xf32>
    %swap3A_693 = vector.shape_cast %swap3A_692 : vector<1x1x1x8x128xf32> to vector<8x128xf32>
    %swap3A_694 = vector.shape_cast %slice3A_686 : vector<8x128xf32> to vector<1x1x1x8x128xf32>
    tpu.vector_store %arg2[%swap3A_687, %swap3A_688, %swap3A_689, %swap3A_690, %swap3A_691], %swap3A_694 {strides = array<i32>} : memref<1x8x15x8x128xf32, #tpu.memory_space<vmem>>, vector<1x1x1x8x128xf32>,
    %slice3A_695 = vector.extract_strided_slice %roll3A {offsets = [40, 256], sizes = [8, 128], strides = [1, 1]} : vector<64x2048xf32> to vector<8x128xf32>
    %swap3A_696 = arith.constant 0 : index
    %swap3A_697 = arith.constant 5 : index
    %swap3A_698 = arith.constant 2 : index
    %swap3A_699 = arith.constant 0 : index
    %swap3A_700 = arith.constant 0 : index
    %swap3A_701 = vector.load %arg2[%swap3A_696, %swap3A_697, %swap3A_698, %swap3A_699, %swap3A_700] : memref<1x8x15x8x128xf32, #tpu.memory_space<vmem>>, vector<1x1x1x8x128xf32>
    %swap3A_702 = vector.shape_cast %swap3A_701 : vector<1x1x1x8x128xf32> to vector<8x128xf32>
    %swap3A_703 = vector.shape_cast %slice3A_695 : vector<8x128xf32> to vector<1x1x1x8x128xf32>
    tpu.vector_store %arg2[%swap3A_696, %swap3A_697, %swap3A_698, %swap3A_699, %swap3A_700], %swap3A_703 {strides = array<i32>} : memref<1x8x15x8x128xf32, #tpu.memory_space<vmem>>, vector<1x1x1x8x128xf32>,
    %slice3A_704 = vector.extract_strided_slice %roll3A {offsets = [40, 384], sizes = [8, 128], strides = [1, 1]} : vector<64x2048xf32> to vector<8x128xf32>
    %swap3A_705 = arith.constant 0 : index
    %swap3A_706 = arith.constant 5 : index
    %swap3A_707 = arith.constant 3 : index
    %swap3A_708 = arith.constant 0 : index
    %swap3A_709 = arith.constant 0 : index
    %swap3A_710 = vector.load %arg2[%swap3A_705, %swap3A_706, %swap3A_707, %swap3A_708, %swap3A_709] : memref<1x8x15x8x128xf32, #tpu.memory_space<vmem>>, vector<1x1x1x8x128xf32>
    %swap3A_711 = vector.shape_cast %swap3A_710 : vector<1x1x1x8x128xf32> to vector<8x128xf32>
    %swap3A_712 = vector.shape_cast %slice3A_704 : vector<8x128xf32> to vector<1x1x1x8x128xf32>
    tpu.vector_store %arg2[%swap3A_705, %swap3A_706, %swap3A_707, %swap3A_708, %swap3A_709], %swap3A_712 {strides = array<i32>} : memref<1x8x15x8x128xf32, #tpu.memory_space<vmem>>, vector<1x1x1x8x128xf32>,
    %slice3A_713 = vector.extract_strided_slice %roll3A {offsets = [40, 512], sizes = [8, 128], strides = [1, 1]} : vector<64x2048xf32> to vector<8x128xf32>
    %swap3A_714 = arith.constant 0 : index
    %swap3A_715 = arith.constant 5 : index
    %swap3A_716 = arith.constant 4 : index
    %swap3A_717 = arith.constant 0 : index
    %swap3A_718 = arith.constant 0 : index
    %swap3A_719 = vector.load %arg2[%swap3A_714, %swap3A_715, %swap3A_716, %swap3A_717, %swap3A_718] : memref<1x8x15x8x128xf32, #tpu.memory_space<vmem>>, vector<1x1x1x8x128xf32>
    %swap3A_720 = vector.shape_cast %swap3A_719 : vector<1x1x1x8x128xf32> to vector<8x128xf32>
    %swap3A_721 = vector.shape_cast %slice3A_713 : vector<8x128xf32> to vector<1x1x1x8x128xf32>
    tpu.vector_store %arg2[%swap3A_714, %swap3A_715, %swap3A_716, %swap3A_717, %swap3A_718], %swap3A_721 {strides = array<i32>} : memref<1x8x15x8x128xf32, #tpu.memory_space<vmem>>, vector<1x1x1x8x128xf32>,
    %slice3A_722 = vector.extract_strided_slice %roll3A {offsets = [40, 640], sizes = [8, 128], strides = [1, 1]} : vector<64x2048xf32> to vector<8x128xf32>
    %swap3A_723 = arith.constant 0 : index
    %swap3A_724 = arith.constant 5 : index
    %swap3A_725 = arith.constant 5 : index
    %swap3A_726 = arith.constant 0 : index
    %swap3A_727 = arith.constant 0 : index
    %swap3A_728 = vector.load %arg2[%swap3A_723, %swap3A_724, %swap3A_725, %swap3A_726, %swap3A_727] : memref<1x8x15x8x128xf32, #tpu.memory_space<vmem>>, vector<1x1x1x8x128xf32>
    %swap3A_729 = vector.shape_cast %swap3A_728 : vector<1x1x1x8x128xf32> to vector<8x128xf32>
    %swap3A_730 = vector.shape_cast %slice3A_722 : vector<8x128xf32> to vector<1x1x1x8x128xf32>
    tpu.vector_store %arg2[%swap3A_723, %swap3A_724, %swap3A_725, %swap3A_726, %swap3A_727], %swap3A_730 {strides = array<i32>} : memref<1x8x15x8x128xf32, #tpu.memory_space<vmem>>, vector<1x1x1x8x128xf32>,
    %slice3A_731 = vector.extract_strided_slice %roll3A {offsets = [40, 768], sizes = [8, 128], strides = [1, 1]} : vector<64x2048xf32> to vector<8x128xf32>
    %swap3A_732 = arith.constant 0 : index
    %swap3A_733 = arith.constant 5 : index
    %swap3A_734 = arith.constant 6 : index
    %swap3A_735 = arith.constant 0 : index
    %swap3A_736 = arith.constant 0 : index
    %swap3A_737 = vector.load %arg2[%swap3A_732, %swap3A_733, %swap3A_734, %swap3A_735, %swap3A_736] : memref<1x8x15x8x128xf32, #tpu.memory_space<vmem>>, vector<1x1x1x8x128xf32>
    %swap3A_738 = vector.shape_cast %swap3A_737 : vector<1x1x1x8x128xf32> to vector<8x128xf32>
    %swap3A_739 = vector.shape_cast %slice3A_731 : vector<8x128xf32> to vector<1x1x1x8x128xf32>
    tpu.vector_store %arg2[%swap3A_732, %swap3A_733, %swap3A_734, %swap3A_735, %swap3A_736], %swap3A_739 {strides = array<i32>} : memref<1x8x15x8x128xf32, #tpu.memory_space<vmem>>, vector<1x1x1x8x128xf32>,
    %slice3A_740 = vector.extract_strided_slice %roll3A {offsets = [40, 896], sizes = [8, 128], strides = [1, 1]} : vector<64x2048xf32> to vector<8x128xf32>
    %swap3A_741 = arith.constant 0 : index
    %swap3A_742 = arith.constant 5 : index
    %swap3A_743 = arith.constant 7 : index
    %swap3A_744 = arith.constant 0 : index
    %swap3A_745 = arith.constant 0 : index
    %swap3A_746 = vector.load %arg2[%swap3A_741, %swap3A_742, %swap3A_743, %swap3A_744, %swap3A_745] : memref<1x8x15x8x128xf32, #tpu.memory_space<vmem>>, vector<1x1x1x8x128xf32>
    %swap3A_747 = vector.shape_cast %swap3A_746 : vector<1x1x1x8x128xf32> to vector<8x128xf32>
    %swap3A_748 = vector.shape_cast %slice3A_740 : vector<8x128xf32> to vector<1x1x1x8x128xf32>
    tpu.vector_store %arg2[%swap3A_741, %swap3A_742, %swap3A_743, %swap3A_744, %swap3A_745], %swap3A_748 {strides = array<i32>} : memref<1x8x15x8x128xf32, #tpu.memory_space<vmem>>, vector<1x1x1x8x128xf32>,
    %slice3A_749 = vector.extract_strided_slice %roll3A {offsets = [40, 1024], sizes = [8, 128], strides = [1, 1]} : vector<64x2048xf32> to vector<8x128xf32>
    %swap3A_750 = arith.constant 0 : index
    %swap3A_751 = arith.constant 5 : index
    %swap3A_752 = arith.constant 8 : index
    %swap3A_753 = arith.constant 0 : index
    %swap3A_754 = arith.constant 0 : index
    %swap3A_755 = vector.load %arg2[%swap3A_750, %swap3A_751, %swap3A_752, %swap3A_753, %swap3A_754] : memref<1x8x15x8x128xf32, #tpu.memory_space<vmem>>, vector<1x1x1x8x128xf32>
    %swap3A_756 = vector.shape_cast %swap3A_755 : vector<1x1x1x8x128xf32> to vector<8x128xf32>
    %swap3A_757 = vector.shape_cast %slice3A_749 : vector<8x128xf32> to vector<1x1x1x8x128xf32>
    tpu.vector_store %arg2[%swap3A_750, %swap3A_751, %swap3A_752, %swap3A_753, %swap3A_754], %swap3A_757 {strides = array<i32>} : memref<1x8x15x8x128xf32, #tpu.memory_space<vmem>>, vector<1x1x1x8x128xf32>,
    %slice3A_758 = vector.extract_strided_slice %roll3A {offsets = [40, 1152], sizes = [8, 128], strides = [1, 1]} : vector<64x2048xf32> to vector<8x128xf32>
    %swap3A_759 = arith.constant 0 : index
    %swap3A_760 = arith.constant 5 : index
    %swap3A_761 = arith.constant 9 : index
    %swap3A_762 = arith.constant 0 : index
    %swap3A_763 = arith.constant 0 : index
    %swap3A_764 = vector.load %arg2[%swap3A_759, %swap3A_760, %swap3A_761, %swap3A_762, %swap3A_763] : memref<1x8x15x8x128xf32, #tpu.memory_space<vmem>>, vector<1x1x1x8x128xf32>
    %swap3A_765 = vector.shape_cast %swap3A_764 : vector<1x1x1x8x128xf32> to vector<8x128xf32>
    %swap3A_766 = vector.shape_cast %slice3A_758 : vector<8x128xf32> to vector<1x1x1x8x128xf32>
    tpu.vector_store %arg2[%swap3A_759, %swap3A_760, %swap3A_761, %swap3A_762, %swap3A_763], %swap3A_766 {strides = array<i32>} : memref<1x8x15x8x128xf32, #tpu.memory_space<vmem>>, vector<1x1x1x8x128xf32>,
    %slice3A_767 = vector.extract_strided_slice %roll3A {offsets = [40, 1280], sizes = [8, 128], strides = [1, 1]} : vector<64x2048xf32> to vector<8x128xf32>
    %swap3A_768 = arith.constant 0 : index
    %swap3A_769 = arith.constant 5 : index
    %swap3A_770 = arith.constant 10 : index
    %swap3A_771 = arith.constant 0 : index
    %swap3A_772 = arith.constant 0 : index
    %swap3A_773 = vector.load %arg2[%swap3A_768, %swap3A_769, %swap3A_770, %swap3A_771, %swap3A_772] : memref<1x8x15x8x128xf32, #tpu.memory_space<vmem>>, vector<1x1x1x8x128xf32>
    %swap3A_774 = vector.shape_cast %swap3A_773 : vector<1x1x1x8x128xf32> to vector<8x128xf32>
    %swap3A_775 = vector.shape_cast %slice3A_767 : vector<8x128xf32> to vector<1x1x1x8x128xf32>
    tpu.vector_store %arg2[%swap3A_768, %swap3A_769, %swap3A_770, %swap3A_771, %swap3A_772], %swap3A_775 {strides = array<i32>} : memref<1x8x15x8x128xf32, #tpu.memory_space<vmem>>, vector<1x1x1x8x128xf32>,
    %slice3A_776 = vector.extract_strided_slice %roll3A {offsets = [40, 1408], sizes = [8, 128], strides = [1, 1]} : vector<64x2048xf32> to vector<8x128xf32>
    %swap3A_777 = arith.constant 0 : index
    %swap3A_778 = arith.constant 5 : index
    %swap3A_779 = arith.constant 11 : index
    %swap3A_780 = arith.constant 0 : index
    %swap3A_781 = arith.constant 0 : index
    %swap3A_782 = vector.load %arg2[%swap3A_777, %swap3A_778, %swap3A_779, %swap3A_780, %swap3A_781] : memref<1x8x15x8x128xf32, #tpu.memory_space<vmem>>, vector<1x1x1x8x128xf32>
    %swap3A_783 = vector.shape_cast %swap3A_782 : vector<1x1x1x8x128xf32> to vector<8x128xf32>
    %swap3A_784 = vector.shape_cast %slice3A_776 : vector<8x128xf32> to vector<1x1x1x8x128xf32>
    tpu.vector_store %arg2[%swap3A_777, %swap3A_778, %swap3A_779, %swap3A_780, %swap3A_781], %swap3A_784 {strides = array<i32>} : memref<1x8x15x8x128xf32, #tpu.memory_space<vmem>>, vector<1x1x1x8x128xf32>,
    %slice3A_785 = vector.extract_strided_slice %roll3A {offsets = [40, 1536], sizes = [8, 128], strides = [1, 1]} : vector<64x2048xf32> to vector<8x128xf32>
    %swap3A_786 = arith.constant 0 : index
    %swap3A_787 = arith.constant 5 : index
    %swap3A_788 = arith.constant 12 : index
    %swap3A_789 = arith.constant 0 : index
    %swap3A_790 = arith.constant 0 : index
    %swap3A_791 = vector.load %arg2[%swap3A_786, %swap3A_787, %swap3A_788, %swap3A_789, %swap3A_790] : memref<1x8x15x8x128xf32, #tpu.memory_space<vmem>>, vector<1x1x1x8x128xf32>
    %swap3A_792 = vector.shape_cast %swap3A_791 : vector<1x1x1x8x128xf32> to vector<8x128xf32>
    %swap3A_793 = vector.shape_cast %slice3A_785 : vector<8x128xf32> to vector<1x1x1x8x128xf32>
    tpu.vector_store %arg2[%swap3A_786, %swap3A_787, %swap3A_788, %swap3A_789, %swap3A_790], %swap3A_793 {strides = array<i32>} : memref<1x8x15x8x128xf32, #tpu.memory_space<vmem>>, vector<1x1x1x8x128xf32>,
    %slice3A_794 = vector.extract_strided_slice %roll3A {offsets = [40, 1664], sizes = [8, 128], strides = [1, 1]} : vector<64x2048xf32> to vector<8x128xf32>
    %swap3A_795 = arith.constant 0 : index
    %swap3A_796 = arith.constant 5 : index
    %swap3A_797 = arith.constant 13 : index
    %swap3A_798 = arith.constant 0 : index
    %swap3A_799 = arith.constant 0 : index
    %swap3A_800 = vector.load %arg2[%swap3A_795, %swap3A_796, %swap3A_797, %swap3A_798, %swap3A_799] : memref<1x8x15x8x128xf32, #tpu.memory_space<vmem>>, vector<1x1x1x8x128xf32>
    %swap3A_801 = vector.shape_cast %swap3A_800 : vector<1x1x1x8x128xf32> to vector<8x128xf32>
    %swap3A_802 = vector.shape_cast %slice3A_794 : vector<8x128xf32> to vector<1x1x1x8x128xf32>
    tpu.vector_store %arg2[%swap3A_795, %swap3A_796, %swap3A_797, %swap3A_798, %swap3A_799], %swap3A_802 {strides = array<i32>} : memref<1x8x15x8x128xf32, #tpu.memory_space<vmem>>, vector<1x1x1x8x128xf32>,
    %slice3A_803 = vector.extract_strided_slice %roll3A {offsets = [40, 1792], sizes = [8, 128], strides = [1, 1]} : vector<64x2048xf32> to vector<8x128xf32>
    %swap3A_804 = arith.constant 0 : index
    %swap3A_805 = arith.constant 5 : index
    %swap3A_806 = arith.constant 14 : index
    %swap3A_807 = arith.constant 0 : index
    %swap3A_808 = arith.constant 0 : index
    %swap3A_809 = vector.load %arg2[%swap3A_804, %swap3A_805, %swap3A_806, %swap3A_807, %swap3A_808] : memref<1x8x15x8x128xf32, #tpu.memory_space<vmem>>, vector<1x1x1x8x128xf32>
    %swap3A_810 = vector.shape_cast %swap3A_809 : vector<1x1x1x8x128xf32> to vector<8x128xf32>
    %swap3A_811 = vector.shape_cast %slice3A_803 : vector<8x128xf32> to vector<1x1x1x8x128xf32>
    tpu.vector_store %arg2[%swap3A_804, %swap3A_805, %swap3A_806, %swap3A_807, %swap3A_808], %swap3A_811 {strides = array<i32>} : memref<1x8x15x8x128xf32, #tpu.memory_space<vmem>>, vector<1x1x1x8x128xf32>,
    %slice3A_812 = vector.extract_strided_slice %roll3A {offsets = [48, 0], sizes = [8, 128], strides = [1, 1]} : vector<64x2048xf32> to vector<8x128xf32>
    %swap3A_813 = arith.constant 0 : index
    %swap3A_814 = arith.constant 6 : index
    %swap3A_815 = arith.constant 0 : index
    %swap3A_816 = arith.constant 0 : index
    %swap3A_817 = arith.constant 0 : index
    %swap3A_818 = vector.load %arg2[%swap3A_813, %swap3A_814, %swap3A_815, %swap3A_816, %swap3A_817] : memref<1x8x15x8x128xf32, #tpu.memory_space<vmem>>, vector<1x1x1x8x128xf32>
    %swap3A_819 = vector.shape_cast %swap3A_818 : vector<1x1x1x8x128xf32> to vector<8x128xf32>
    %swap3A_820 = vector.shape_cast %slice3A_812 : vector<8x128xf32> to vector<1x1x1x8x128xf32>
    tpu.vector_store %arg2[%swap3A_813, %swap3A_814, %swap3A_815, %swap3A_816, %swap3A_817], %swap3A_820 {strides = array<i32>} : memref<1x8x15x8x128xf32, #tpu.memory_space<vmem>>, vector<1x1x1x8x128xf32>,
    %slice3A_821 = vector.extract_strided_slice %roll3A {offsets = [48, 128], sizes = [8, 128], strides = [1, 1]} : vector<64x2048xf32> to vector<8x128xf32>
    %swap3A_822 = arith.constant 0 : index
    %swap3A_823 = arith.constant 6 : index
    %swap3A_824 = arith.constant 1 : index
    %swap3A_825 = arith.constant 0 : index
    %swap3A_826 = arith.constant 0 : index
    %swap3A_827 = vector.load %arg2[%swap3A_822, %swap3A_823, %swap3A_824, %swap3A_825, %swap3A_826] : memref<1x8x15x8x128xf32, #tpu.memory_space<vmem>>, vector<1x1x1x8x128xf32>
    %swap3A_828 = vector.shape_cast %swap3A_827 : vector<1x1x1x8x128xf32> to vector<8x128xf32>
    %swap3A_829 = vector.shape_cast %slice3A_821 : vector<8x128xf32> to vector<1x1x1x8x128xf32>
    tpu.vector_store %arg2[%swap3A_822, %swap3A_823, %swap3A_824, %swap3A_825, %swap3A_826], %swap3A_829 {strides = array<i32>} : memref<1x8x15x8x128xf32, #tpu.memory_space<vmem>>, vector<1x1x1x8x128xf32>,
    %slice3A_830 = vector.extract_strided_slice %roll3A {offsets = [48, 256], sizes = [8, 128], strides = [1, 1]} : vector<64x2048xf32> to vector<8x128xf32>
    %swap3A_831 = arith.constant 0 : index
    %swap3A_832 = arith.constant 6 : index
    %swap3A_833 = arith.constant 2 : index
    %swap3A_834 = arith.constant 0 : index
    %swap3A_835 = arith.constant 0 : index
    %swap3A_836 = vector.load %arg2[%swap3A_831, %swap3A_832, %swap3A_833, %swap3A_834, %swap3A_835] : memref<1x8x15x8x128xf32, #tpu.memory_space<vmem>>, vector<1x1x1x8x128xf32>
    %swap3A_837 = vector.shape_cast %swap3A_836 : vector<1x1x1x8x128xf32> to vector<8x128xf32>
    %swap3A_838 = vector.shape_cast %slice3A_830 : vector<8x128xf32> to vector<1x1x1x8x128xf32>
    tpu.vector_store %arg2[%swap3A_831, %swap3A_832, %swap3A_833, %swap3A_834, %swap3A_835], %swap3A_838 {strides = array<i32>} : memref<1x8x15x8x128xf32, #tpu.memory_space<vmem>>, vector<1x1x1x8x128xf32>,
    %slice3A_839 = vector.extract_strided_slice %roll3A {offsets = [48, 384], sizes = [8, 128], strides = [1, 1]} : vector<64x2048xf32> to vector<8x128xf32>
    %swap3A_840 = arith.constant 0 : index
    %swap3A_841 = arith.constant 6 : index
    %swap3A_842 = arith.constant 3 : index
    %swap3A_843 = arith.constant 0 : index
    %swap3A_844 = arith.constant 0 : index
    %swap3A_845 = vector.load %arg2[%swap3A_840, %swap3A_841, %swap3A_842, %swap3A_843, %swap3A_844] : memref<1x8x15x8x128xf32, #tpu.memory_space<vmem>>, vector<1x1x1x8x128xf32>
    %swap3A_846 = vector.shape_cast %swap3A_845 : vector<1x1x1x8x128xf32> to vector<8x128xf32>
    %swap3A_847 = vector.shape_cast %slice3A_839 : vector<8x128xf32> to vector<1x1x1x8x128xf32>
    tpu.vector_store %arg2[%swap3A_840, %swap3A_841, %swap3A_842, %swap3A_843, %swap3A_844], %swap3A_847 {strides = array<i32>} : memref<1x8x15x8x128xf32, #tpu.memory_space<vmem>>, vector<1x1x1x8x128xf32>,
    %slice3A_848 = vector.extract_strided_slice %roll3A {offsets = [48, 512], sizes = [8, 128], strides = [1, 1]} : vector<64x2048xf32> to vector<8x128xf32>
    %swap3A_849 = arith.constant 0 : index
    %swap3A_850 = arith.constant 6 : index
    %swap3A_851 = arith.constant 4 : index
    %swap3A_852 = arith.constant 0 : index
    %swap3A_853 = arith.constant 0 : index
    %swap3A_854 = vector.load %arg2[%swap3A_849, %swap3A_850, %swap3A_851, %swap3A_852, %swap3A_853] : memref<1x8x15x8x128xf32, #tpu.memory_space<vmem>>, vector<1x1x1x8x128xf32>
    %swap3A_855 = vector.shape_cast %swap3A_854 : vector<1x1x1x8x128xf32> to vector<8x128xf32>
    %swap3A_856 = vector.shape_cast %slice3A_848 : vector<8x128xf32> to vector<1x1x1x8x128xf32>
    tpu.vector_store %arg2[%swap3A_849, %swap3A_850, %swap3A_851, %swap3A_852, %swap3A_853], %swap3A_856 {strides = array<i32>} : memref<1x8x15x8x128xf32, #tpu.memory_space<vmem>>, vector<1x1x1x8x128xf32>,
    %slice3A_857 = vector.extract_strided_slice %roll3A {offsets = [48, 640], sizes = [8, 128], strides = [1, 1]} : vector<64x2048xf32> to vector<8x128xf32>
    %swap3A_858 = arith.constant 0 : index
    %swap3A_859 = arith.constant 6 : index
    %swap3A_860 = arith.constant 5 : index
    %swap3A_861 = arith.constant 0 : index
    %swap3A_862 = arith.constant 0 : index
    %swap3A_863 = vector.load %arg2[%swap3A_858, %swap3A_859, %swap3A_860, %swap3A_861, %swap3A_862] : memref<1x8x15x8x128xf32, #tpu.memory_space<vmem>>, vector<1x1x1x8x128xf32>
    %swap3A_864 = vector.shape_cast %swap3A_863 : vector<1x1x1x8x128xf32> to vector<8x128xf32>
    %swap3A_865 = vector.shape_cast %slice3A_857 : vector<8x128xf32> to vector<1x1x1x8x128xf32>
    tpu.vector_store %arg2[%swap3A_858, %swap3A_859, %swap3A_860, %swap3A_861, %swap3A_862], %swap3A_865 {strides = array<i32>} : memref<1x8x15x8x128xf32, #tpu.memory_space<vmem>>, vector<1x1x1x8x128xf32>,
    %slice3A_866 = vector.extract_strided_slice %roll3A {offsets = [48, 768], sizes = [8, 128], strides = [1, 1]} : vector<64x2048xf32> to vector<8x128xf32>
    %swap3A_867 = arith.constant 0 : index
    %swap3A_868 = arith.constant 6 : index
    %swap3A_869 = arith.constant 6 : index
    %swap3A_870 = arith.constant 0 : index
    %swap3A_871 = arith.constant 0 : index
    %swap3A_872 = vector.load %arg2[%swap3A_867, %swap3A_868, %swap3A_869, %swap3A_870, %swap3A_871] : memref<1x8x15x8x128xf32, #tpu.memory_space<vmem>>, vector<1x1x1x8x128xf32>
    %swap3A_873 = vector.shape_cast %swap3A_872 : vector<1x1x1x8x128xf32> to vector<8x128xf32>
    %swap3A_874 = vector.shape_cast %slice3A_866 : vector<8x128xf32> to vector<1x1x1x8x128xf32>
    tpu.vector_store %arg2[%swap3A_867, %swap3A_868, %swap3A_869, %swap3A_870, %swap3A_871], %swap3A_874 {strides = array<i32>} : memref<1x8x15x8x128xf32, #tpu.memory_space<vmem>>, vector<1x1x1x8x128xf32>,
    %slice3A_875 = vector.extract_strided_slice %roll3A {offsets = [48, 896], sizes = [8, 128], strides = [1, 1]} : vector<64x2048xf32> to vector<8x128xf32>
    %swap3A_876 = arith.constant 0 : index
    %swap3A_877 = arith.constant 6 : index
    %swap3A_878 = arith.constant 7 : index
    %swap3A_879 = arith.constant 0 : index
    %swap3A_880 = arith.constant 0 : index
    %swap3A_881 = vector.load %arg2[%swap3A_876, %swap3A_877, %swap3A_878, %swap3A_879, %swap3A_880] : memref<1x8x15x8x128xf32, #tpu.memory_space<vmem>>, vector<1x1x1x8x128xf32>
    %swap3A_882 = vector.shape_cast %swap3A_881 : vector<1x1x1x8x128xf32> to vector<8x128xf32>
    %swap3A_883 = vector.shape_cast %slice3A_875 : vector<8x128xf32> to vector<1x1x1x8x128xf32>
    tpu.vector_store %arg2[%swap3A_876, %swap3A_877, %swap3A_878, %swap3A_879, %swap3A_880], %swap3A_883 {strides = array<i32>} : memref<1x8x15x8x128xf32, #tpu.memory_space<vmem>>, vector<1x1x1x8x128xf32>,
    %slice3A_884 = vector.extract_strided_slice %roll3A {offsets = [48, 1024], sizes = [8, 128], strides = [1, 1]} : vector<64x2048xf32> to vector<8x128xf32>
    %swap3A_885 = arith.constant 0 : index
    %swap3A_886 = arith.constant 6 : index
    %swap3A_887 = arith.constant 8 : index
    %swap3A_888 = arith.constant 0 : index
    %swap3A_889 = arith.constant 0 : index
    %swap3A_890 = vector.load %arg2[%swap3A_885, %swap3A_886, %swap3A_887, %swap3A_888, %swap3A_889] : memref<1x8x15x8x128xf32, #tpu.memory_space<vmem>>, vector<1x1x1x8x128xf32>
    %swap3A_891 = vector.shape_cast %swap3A_890 : vector<1x1x1x8x128xf32> to vector<8x128xf32>
    %swap3A_892 = vector.shape_cast %slice3A_884 : vector<8x128xf32> to vector<1x1x1x8x128xf32>
    tpu.vector_store %arg2[%swap3A_885, %swap3A_886, %swap3A_887, %swap3A_888, %swap3A_889], %swap3A_892 {strides = array<i32>} : memref<1x8x15x8x128xf32, #tpu.memory_space<vmem>>, vector<1x1x1x8x128xf32>,
    %slice3A_893 = vector.extract_strided_slice %roll3A {offsets = [48, 1152], sizes = [8, 128], strides = [1, 1]} : vector<64x2048xf32> to vector<8x128xf32>
    %swap3A_894 = arith.constant 0 : index
    %swap3A_895 = arith.constant 6 : index
    %swap3A_896 = arith.constant 9 : index
    %swap3A_897 = arith.constant 0 : index
    %swap3A_898 = arith.constant 0 : index
    %swap3A_899 = vector.load %arg2[%swap3A_894, %swap3A_895, %swap3A_896, %swap3A_897, %swap3A_898] : memref<1x8x15x8x128xf32, #tpu.memory_space<vmem>>, vector<1x1x1x8x128xf32>
    %swap3A_900 = vector.shape_cast %swap3A_899 : vector<1x1x1x8x128xf32> to vector<8x128xf32>
    %swap3A_901 = vector.shape_cast %slice3A_893 : vector<8x128xf32> to vector<1x1x1x8x128xf32>
    tpu.vector_store %arg2[%swap3A_894, %swap3A_895, %swap3A_896, %swap3A_897, %swap3A_898], %swap3A_901 {strides = array<i32>} : memref<1x8x15x8x128xf32, #tpu.memory_space<vmem>>, vector<1x1x1x8x128xf32>,
    %slice3A_902 = vector.extract_strided_slice %roll3A {offsets = [48, 1280], sizes = [8, 128], strides = [1, 1]} : vector<64x2048xf32> to vector<8x128xf32>
    %swap3A_903 = arith.constant 0 : index
    %swap3A_904 = arith.constant 6 : index
    %swap3A_905 = arith.constant 10 : index
    %swap3A_906 = arith.constant 0 : index
    %swap3A_907 = arith.constant 0 : index
    %swap3A_908 = vector.load %arg2[%swap3A_903, %swap3A_904, %swap3A_905, %swap3A_906, %swap3A_907] : memref<1x8x15x8x128xf32, #tpu.memory_space<vmem>>, vector<1x1x1x8x128xf32>
    %swap3A_909 = vector.shape_cast %swap3A_908 : vector<1x1x1x8x128xf32> to vector<8x128xf32>
    %swap3A_910 = vector.shape_cast %slice3A_902 : vector<8x128xf32> to vector<1x1x1x8x128xf32>
    tpu.vector_store %arg2[%swap3A_903, %swap3A_904, %swap3A_905, %swap3A_906, %swap3A_907], %swap3A_910 {strides = array<i32>} : memref<1x8x15x8x128xf32, #tpu.memory_space<vmem>>, vector<1x1x1x8x128xf32>,
    %slice3A_911 = vector.extract_strided_slice %roll3A {offsets = [48, 1408], sizes = [8, 128], strides = [1, 1]} : vector<64x2048xf32> to vector<8x128xf32>
    %swap3A_912 = arith.constant 0 : index
    %swap3A_913 = arith.constant 6 : index
    %swap3A_914 = arith.constant 11 : index
    %swap3A_915 = arith.constant 0 : index
    %swap3A_916 = arith.constant 0 : index
    %swap3A_917 = vector.load %arg2[%swap3A_912, %swap3A_913, %swap3A_914, %swap3A_915, %swap3A_916] : memref<1x8x15x8x128xf32, #tpu.memory_space<vmem>>, vector<1x1x1x8x128xf32>
    %swap3A_918 = vector.shape_cast %swap3A_917 : vector<1x1x1x8x128xf32> to vector<8x128xf32>
    %swap3A_919 = vector.shape_cast %slice3A_911 : vector<8x128xf32> to vector<1x1x1x8x128xf32>
    tpu.vector_store %arg2[%swap3A_912, %swap3A_913, %swap3A_914, %swap3A_915, %swap3A_916], %swap3A_919 {strides = array<i32>} : memref<1x8x15x8x128xf32, #tpu.memory_space<vmem>>, vector<1x1x1x8x128xf32>,
    %slice3A_920 = vector.extract_strided_slice %roll3A {offsets = [48, 1536], sizes = [8, 128], strides = [1, 1]} : vector<64x2048xf32> to vector<8x128xf32>
    %swap3A_921 = arith.constant 0 : index
    %swap3A_922 = arith.constant 6 : index
    %swap3A_923 = arith.constant 12 : index
    %swap3A_924 = arith.constant 0 : index
    %swap3A_925 = arith.constant 0 : index
    %swap3A_926 = vector.load %arg2[%swap3A_921, %swap3A_922, %swap3A_923, %swap3A_924, %swap3A_925] : memref<1x8x15x8x128xf32, #tpu.memory_space<vmem>>, vector<1x1x1x8x128xf32>
    %swap3A_927 = vector.shape_cast %swap3A_926 : vector<1x1x1x8x128xf32> to vector<8x128xf32>
    %swap3A_928 = vector.shape_cast %slice3A_920 : vector<8x128xf32> to vector<1x1x1x8x128xf32>
    tpu.vector_store %arg2[%swap3A_921, %swap3A_922, %swap3A_923, %swap3A_924, %swap3A_925], %swap3A_928 {strides = array<i32>} : memref<1x8x15x8x128xf32, #tpu.memory_space<vmem>>, vector<1x1x1x8x128xf32>,
    %slice3A_929 = vector.extract_strided_slice %roll3A {offsets = [48, 1664], sizes = [8, 128], strides = [1, 1]} : vector<64x2048xf32> to vector<8x128xf32>
    %swap3A_930 = arith.constant 0 : index
    %swap3A_931 = arith.constant 6 : index
    %swap3A_932 = arith.constant 13 : index
    %swap3A_933 = arith.constant 0 : index
    %swap3A_934 = arith.constant 0 : index
    %swap3A_935 = vector.load %arg2[%swap3A_930, %swap3A_931, %swap3A_932, %swap3A_933, %swap3A_934] : memref<1x8x15x8x128xf32, #tpu.memory_space<vmem>>, vector<1x1x1x8x128xf32>
    %swap3A_936 = vector.shape_cast %swap3A_935 : vector<1x1x1x8x128xf32> to vector<8x128xf32>
    %swap3A_937 = vector.shape_cast %slice3A_929 : vector<8x128xf32> to vector<1x1x1x8x128xf32>
    tpu.vector_store %arg2[%swap3A_930, %swap3A_931, %swap3A_932, %swap3A_933, %swap3A_934], %swap3A_937 {strides = array<i32>} : memref<1x8x15x8x128xf32, #tpu.memory_space<vmem>>, vector<1x1x1x8x128xf32>,
    %slice3A_938 = vector.extract_strided_slice %roll3A {offsets = [48, 1792], sizes = [8, 128], strides = [1, 1]} : vector<64x2048xf32> to vector<8x128xf32>
    %swap3A_939 = arith.constant 0 : index
    %swap3A_940 = arith.constant 6 : index
    %swap3A_941 = arith.constant 14 : index
    %swap3A_942 = arith.constant 0 : index
    %swap3A_943 = arith.constant 0 : index
    %swap3A_944 = vector.load %arg2[%swap3A_939, %swap3A_940, %swap3A_941, %swap3A_942, %swap3A_943] : memref<1x8x15x8x128xf32, #tpu.memory_space<vmem>>, vector<1x1x1x8x128xf32>
    %swap3A_945 = vector.shape_cast %swap3A_944 : vector<1x1x1x8x128xf32> to vector<8x128xf32>
    %swap3A_946 = vector.shape_cast %slice3A_938 : vector<8x128xf32> to vector<1x1x1x8x128xf32>
    tpu.vector_store %arg2[%swap3A_939, %swap3A_940, %swap3A_941, %swap3A_942, %swap3A_943], %swap3A_946 {strides = array<i32>} : memref<1x8x15x8x128xf32, #tpu.memory_space<vmem>>, vector<1x1x1x8x128xf32>,
    %slice3A_947 = vector.extract_strided_slice %roll3A {offsets = [56, 0], sizes = [8, 128], strides = [1, 1]} : vector<64x2048xf32> to vector<8x128xf32>
    %swap3A_948 = arith.constant 0 : index
    %swap3A_949 = arith.constant 7 : index
    %swap3A_950 = arith.constant 0 : index
    %swap3A_951 = arith.constant 0 : index
    %swap3A_952 = arith.constant 0 : index
    %swap3A_953 = vector.load %arg2[%swap3A_948, %swap3A_949, %swap3A_950, %swap3A_951, %swap3A_952] : memref<1x8x15x8x128xf32, #tpu.memory_space<vmem>>, vector<1x1x1x8x128xf32>
    %swap3A_954 = vector.shape_cast %swap3A_953 : vector<1x1x1x8x128xf32> to vector<8x128xf32>
    %swap3A_955 = vector.shape_cast %slice3A_947 : vector<8x128xf32> to vector<1x1x1x8x128xf32>
    tpu.vector_store %arg2[%swap3A_948, %swap3A_949, %swap3A_950, %swap3A_951, %swap3A_952], %swap3A_955 {strides = array<i32>} : memref<1x8x15x8x128xf32, #tpu.memory_space<vmem>>, vector<1x1x1x8x128xf32>,
    %slice3A_956 = vector.extract_strided_slice %roll3A {offsets = [56, 128], sizes = [8, 128], strides = [1, 1]} : vector<64x2048xf32> to vector<8x128xf32>
    %swap3A_957 = arith.constant 0 : index
    %swap3A_958 = arith.constant 7 : index
    %swap3A_959 = arith.constant 1 : index
    %swap3A_960 = arith.constant 0 : index
    %swap3A_961 = arith.constant 0 : index
    %swap3A_962 = vector.load %arg2[%swap3A_957, %swap3A_958, %swap3A_959, %swap3A_960, %swap3A_961] : memref<1x8x15x8x128xf32, #tpu.memory_space<vmem>>, vector<1x1x1x8x128xf32>
    %swap3A_963 = vector.shape_cast %swap3A_962 : vector<1x1x1x8x128xf32> to vector<8x128xf32>
    %swap3A_964 = vector.shape_cast %slice3A_956 : vector<8x128xf32> to vector<1x1x1x8x128xf32>
    tpu.vector_store %arg2[%swap3A_957, %swap3A_958, %swap3A_959, %swap3A_960, %swap3A_961], %swap3A_964 {strides = array<i32>} : memref<1x8x15x8x128xf32, #tpu.memory_space<vmem>>, vector<1x1x1x8x128xf32>,
    %slice3A_965 = vector.extract_strided_slice %roll3A {offsets = [56, 256], sizes = [8, 128], strides = [1, 1]} : vector<64x2048xf32> to vector<8x128xf32>
    %swap3A_966 = arith.constant 0 : index
    %swap3A_967 = arith.constant 7 : index
    %swap3A_968 = arith.constant 2 : index
    %swap3A_969 = arith.constant 0 : index
    %swap3A_970 = arith.constant 0 : index
    %swap3A_971 = vector.load %arg2[%swap3A_966, %swap3A_967, %swap3A_968, %swap3A_969, %swap3A_970] : memref<1x8x15x8x128xf32, #tpu.memory_space<vmem>>, vector<1x1x1x8x128xf32>
    %swap3A_972 = vector.shape_cast %swap3A_971 : vector<1x1x1x8x128xf32> to vector<8x128xf32>
    %swap3A_973 = vector.shape_cast %slice3A_965 : vector<8x128xf32> to vector<1x1x1x8x128xf32>
    tpu.vector_store %arg2[%swap3A_966, %swap3A_967, %swap3A_968, %swap3A_969, %swap3A_970], %swap3A_973 {strides = array<i32>} : memref<1x8x15x8x128xf32, #tpu.memory_space<vmem>>, vector<1x1x1x8x128xf32>,
    %slice3A_974 = vector.extract_strided_slice %roll3A {offsets = [56, 384], sizes = [8, 128], strides = [1, 1]} : vector<64x2048xf32> to vector<8x128xf32>
    %swap3A_975 = arith.constant 0 : index
    %swap3A_976 = arith.constant 7 : index
    %swap3A_977 = arith.constant 3 : index
    %swap3A_978 = arith.constant 0 : index
    %swap3A_979 = arith.constant 0 : index
    %swap3A_980 = vector.load %arg2[%swap3A_975, %swap3A_976, %swap3A_977, %swap3A_978, %swap3A_979] : memref<1x8x15x8x128xf32, #tpu.memory_space<vmem>>, vector<1x1x1x8x128xf32>
    %swap3A_981 = vector.shape_cast %swap3A_980 : vector<1x1x1x8x128xf32> to vector<8x128xf32>
    %swap3A_982 = vector.shape_cast %slice3A_974 : vector<8x128xf32> to vector<1x1x1x8x128xf32>
    tpu.vector_store %arg2[%swap3A_975, %swap3A_976, %swap3A_977, %swap3A_978, %swap3A_979], %swap3A_982 {strides = array<i32>} : memref<1x8x15x8x128xf32, #tpu.memory_space<vmem>>, vector<1x1x1x8x128xf32>,
    %slice3A_983 = vector.extract_strided_slice %roll3A {offsets = [56, 512], sizes = [8, 128], strides = [1, 1]} : vector<64x2048xf32> to vector<8x128xf32>
    %swap3A_984 = arith.constant 0 : index
    %swap3A_985 = arith.constant 7 : index
    %swap3A_986 = arith.constant 4 : index
    %swap3A_987 = arith.constant 0 : index
    %swap3A_988 = arith.constant 0 : index
    %swap3A_989 = vector.load %arg2[%swap3A_984, %swap3A_985, %swap3A_986, %swap3A_987, %swap3A_988] : memref<1x8x15x8x128xf32, #tpu.memory_space<vmem>>, vector<1x1x1x8x128xf32>
    %swap3A_990 = vector.shape_cast %swap3A_989 : vector<1x1x1x8x128xf32> to vector<8x128xf32>
    %swap3A_991 = vector.shape_cast %slice3A_983 : vector<8x128xf32> to vector<1x1x1x8x128xf32>
    tpu.vector_store %arg2[%swap3A_984, %swap3A_985, %swap3A_986, %swap3A_987, %swap3A_988], %swap3A_991 {strides = array<i32>} : memref<1x8x15x8x128xf32, #tpu.memory_space<vmem>>, vector<1x1x1x8x128xf32>,
    %slice3A_992 = vector.extract_strided_slice %roll3A {offsets = [56, 640], sizes = [8, 128], strides = [1, 1]} : vector<64x2048xf32> to vector<8x128xf32>
    %swap3A_993 = arith.constant 0 : index
    %swap3A_994 = arith.constant 7 : index
    %swap3A_995 = arith.constant 5 : index
    %swap3A_996 = arith.constant 0 : index
    %swap3A_997 = arith.constant 0 : index
    %swap3A_998 = vector.load %arg2[%swap3A_993, %swap3A_994, %swap3A_995, %swap3A_996, %swap3A_997] : memref<1x8x15x8x128xf32, #tpu.memory_space<vmem>>, vector<1x1x1x8x128xf32>
    %swap3A_999 = vector.shape_cast %swap3A_998 : vector<1x1x1x8x128xf32> to vector<8x128xf32>
    %swap3A_1000 = vector.shape_cast %slice3A_992 : vector<8x128xf32> to vector<1x1x1x8x128xf32>
    tpu.vector_store %arg2[%swap3A_993, %swap3A_994, %swap3A_995, %swap3A_996, %swap3A_997], %swap3A_1000 {strides = array<i32>} : memref<1x8x15x8x128xf32, #tpu.memory_space<vmem>>, vector<1x1x1x8x128xf32>,
    %slice3A_1001 = vector.extract_strided_slice %roll3A {offsets = [56, 768], sizes = [8, 128], strides = [1, 1]} : vector<64x2048xf32> to vector<8x128xf32>
    %swap3A_1002 = arith.constant 0 : index
    %swap3A_1003 = arith.constant 7 : index
    %swap3A_1004 = arith.constant 6 : index
    %swap3A_1005 = arith.constant 0 : index
    %swap3A_1006 = arith.constant 0 : index
    %swap3A_1007 = vector.load %arg2[%swap3A_1002, %swap3A_1003, %swap3A_1004, %swap3A_1005, %swap3A_1006] : memref<1x8x15x8x128xf32, #tpu.memory_space<vmem>>, vector<1x1x1x8x128xf32>
    %swap3A_1008 = vector.shape_cast %swap3A_1007 : vector<1x1x1x8x128xf32> to vector<8x128xf32>
    %swap3A_1009 = vector.shape_cast %slice3A_1001 : vector<8x128xf32> to vector<1x1x1x8x128xf32>
    tpu.vector_store %arg2[%swap3A_1002, %swap3A_1003, %swap3A_1004, %swap3A_1005, %swap3A_1006], %swap3A_1009 {strides = array<i32>} : memref<1x8x15x8x128xf32, #tpu.memory_space<vmem>>, vector<1x1x1x8x128xf32>,
    %slice3A_1010 = vector.extract_strided_slice %roll3A {offsets = [56, 896], sizes = [8, 128], strides = [1, 1]} : vector<64x2048xf32> to vector<8x128xf32>
    %swap3A_1011 = arith.constant 0 : index
    %swap3A_1012 = arith.constant 7 : index
    %swap3A_1013 = arith.constant 7 : index
    %swap3A_1014 = arith.constant 0 : index
    %swap3A_1015 = arith.constant 0 : index
    %swap3A_1016 = vector.load %arg2[%swap3A_1011, %swap3A_1012, %swap3A_1013, %swap3A_1014, %swap3A_1015] : memref<1x8x15x8x128xf32, #tpu.memory_space<vmem>>, vector<1x1x1x8x128xf32>
    %swap3A_1017 = vector.shape_cast %swap3A_1016 : vector<1x1x1x8x128xf32> to vector<8x128xf32>
    %swap3A_1018 = vector.shape_cast %slice3A_1010 : vector<8x128xf32> to vector<1x1x1x8x128xf32>
    tpu.vector_store %arg2[%swap3A_1011, %swap3A_1012, %swap3A_1013, %swap3A_1014, %swap3A_1015], %swap3A_1018 {strides = array<i32>} : memref<1x8x15x8x128xf32, #tpu.memory_space<vmem>>, vector<1x1x1x8x128xf32>,
    %slice3A_1019 = vector.extract_strided_slice %roll3A {offsets = [56, 1024], sizes = [8, 128], strides = [1, 1]} : vector<64x2048xf32> to vector<8x128xf32>
    %swap3A_1020 = arith.constant 0 : index
    %swap3A_1021 = arith.constant 7 : index
    %swap3A_1022 = arith.constant 8 : index
    %swap3A_1023 = arith.constant 0 : index
    %swap3A_1024 = arith.constant 0 : index
    %swap3A_1025 = vector.load %arg2[%swap3A_1020, %swap3A_1021, %swap3A_1022, %swap3A_1023, %swap3A_1024] : memref<1x8x15x8x128xf32, #tpu.memory_space<vmem>>, vector<1x1x1x8x128xf32>
    %swap3A_1026 = vector.shape_cast %swap3A_1025 : vector<1x1x1x8x128xf32> to vector<8x128xf32>
    %swap3A_1027 = vector.shape_cast %slice3A_1019 : vector<8x128xf32> to vector<1x1x1x8x128xf32>
    tpu.vector_store %arg2[%swap3A_1020, %swap3A_1021, %swap3A_1022, %swap3A_1023, %swap3A_1024], %swap3A_1027 {strides = array<i32>} : memref<1x8x15x8x128xf32, #tpu.memory_space<vmem>>, vector<1x1x1x8x128xf32>,
    %slice3A_1028 = vector.extract_strided_slice %roll3A {offsets = [56, 1152], sizes = [8, 128], strides = [1, 1]} : vector<64x2048xf32> to vector<8x128xf32>
    %swap3A_1029 = arith.constant 0 : index
    %swap3A_1030 = arith.constant 7 : index
    %swap3A_1031 = arith.constant 9 : index
    %swap3A_1032 = arith.constant 0 : index
    %swap3A_1033 = arith.constant 0 : index
    %swap3A_1034 = vector.load %arg2[%swap3A_1029, %swap3A_1030, %swap3A_1031, %swap3A_1032, %swap3A_1033] : memref<1x8x15x8x128xf32, #tpu.memory_space<vmem>>, vector<1x1x1x8x128xf32>
    %swap3A_1035 = vector.shape_cast %swap3A_1034 : vector<1x1x1x8x128xf32> to vector<8x128xf32>
    %swap3A_1036 = vector.shape_cast %slice3A_1028 : vector<8x128xf32> to vector<1x1x1x8x128xf32>
    tpu.vector_store %arg2[%swap3A_1029, %swap3A_1030, %swap3A_1031, %swap3A_1032, %swap3A_1033], %swap3A_1036 {strides = array<i32>} : memref<1x8x15x8x128xf32, #tpu.memory_space<vmem>>, vector<1x1x1x8x128xf32>,
    %slice3A_1037 = vector.extract_strided_slice %roll3A {offsets = [56, 1280], sizes = [8, 128], strides = [1, 1]} : vector<64x2048xf32> to vector<8x128xf32>
    %swap3A_1038 = arith.constant 0 : index
    %swap3A_1039 = arith.constant 7 : index
    %swap3A_1040 = arith.constant 10 : index
    %swap3A_1041 = arith.constant 0 : index
    %swap3A_1042 = arith.constant 0 : index
    %swap3A_1043 = vector.load %arg2[%swap3A_1038, %swap3A_1039, %swap3A_1040, %swap3A_1041, %swap3A_1042] : memref<1x8x15x8x128xf32, #tpu.memory_space<vmem>>, vector<1x1x1x8x128xf32>
    %swap3A_1044 = vector.shape_cast %swap3A_1043 : vector<1x1x1x8x128xf32> to vector<8x128xf32>
    %swap3A_1045 = vector.shape_cast %slice3A_1037 : vector<8x128xf32> to vector<1x1x1x8x128xf32>
    tpu.vector_store %arg2[%swap3A_1038, %swap3A_1039, %swap3A_1040, %swap3A_1041, %swap3A_1042], %swap3A_1045 {strides = array<i32>} : memref<1x8x15x8x128xf32, #tpu.memory_space<vmem>>, vector<1x1x1x8x128xf32>,
    %slice3A_1046 = vector.extract_strided_slice %roll3A {offsets = [56, 1408], sizes = [8, 128], strides = [1, 1]} : vector<64x2048xf32> to vector<8x128xf32>
    %swap3A_1047 = arith.constant 0 : index
    %swap3A_1048 = arith.constant 7 : index
    %swap3A_1049 = arith.constant 11 : index
    %swap3A_1050 = arith.constant 0 : index
    %swap3A_1051 = arith.constant 0 : index
    %swap3A_1052 = vector.load %arg2[%swap3A_1047, %swap3A_1048, %swap3A_1049, %swap3A_1050, %swap3A_1051] : memref<1x8x15x8x128xf32, #tpu.memory_space<vmem>>, vector<1x1x1x8x128xf32>
    %swap3A_1053 = vector.shape_cast %swap3A_1052 : vector<1x1x1x8x128xf32> to vector<8x128xf32>
    %swap3A_1054 = vector.shape_cast %slice3A_1046 : vector<8x128xf32> to vector<1x1x1x8x128xf32>
    tpu.vector_store %arg2[%swap3A_1047, %swap3A_1048, %swap3A_1049, %swap3A_1050, %swap3A_1051], %swap3A_1054 {strides = array<i32>} : memref<1x8x15x8x128xf32, #tpu.memory_space<vmem>>, vector<1x1x1x8x128xf32>,
    %slice3A_1055 = vector.extract_strided_slice %roll3A {offsets = [56, 1536], sizes = [8, 128], strides = [1, 1]} : vector<64x2048xf32> to vector<8x128xf32>
    %swap3A_1056 = arith.constant 0 : index
    %swap3A_1057 = arith.constant 7 : index
    %swap3A_1058 = arith.constant 12 : index
    %swap3A_1059 = arith.constant 0 : index
    %swap3A_1060 = arith.constant 0 : index
    %swap3A_1061 = vector.load %arg2[%swap3A_1056, %swap3A_1057, %swap3A_1058, %swap3A_1059, %swap3A_1060] : memref<1x8x15x8x128xf32, #tpu.memory_space<vmem>>, vector<1x1x1x8x128xf32>
    %swap3A_1062 = vector.shape_cast %swap3A_1061 : vector<1x1x1x8x128xf32> to vector<8x128xf32>
    %swap3A_1063 = vector.shape_cast %slice3A_1055 : vector<8x128xf32> to vector<1x1x1x8x128xf32>
    tpu.vector_store %arg2[%swap3A_1056, %swap3A_1057, %swap3A_1058, %swap3A_1059, %swap3A_1060], %swap3A_1063 {strides = array<i32>} : memref<1x8x15x8x128xf32, #tpu.memory_space<vmem>>, vector<1x1x1x8x128xf32>,
    %slice3A_1064 = vector.extract_strided_slice %roll3A {offsets = [56, 1664], sizes = [8, 128], strides = [1, 1]} : vector<64x2048xf32> to vector<8x128xf32>
    %swap3A_1065 = arith.constant 0 : index
    %swap3A_1066 = arith.constant 7 : index
    %swap3A_1067 = arith.constant 13 : index
    %swap3A_1068 = arith.constant 0 : index
    %swap3A_1069 = arith.constant 0 : index
    %swap3A_1070 = vector.load %arg2[%swap3A_1065, %swap3A_1066, %swap3A_1067, %swap3A_1068, %swap3A_1069] : memref<1x8x15x8x128xf32, #tpu.memory_space<vmem>>, vector<1x1x1x8x128xf32>
    %swap3A_1071 = vector.shape_cast %swap3A_1070 : vector<1x1x1x8x128xf32> to vector<8x128xf32>
    %swap3A_1072 = vector.shape_cast %slice3A_1064 : vector<8x128xf32> to vector<1x1x1x8x128xf32>
    tpu.vector_store %arg2[%swap3A_1065, %swap3A_1066, %swap3A_1067, %swap3A_1068, %swap3A_1069], %swap3A_1072 {strides = array<i32>} : memref<1x8x15x8x128xf32, #tpu.memory_space<vmem>>, vector<1x1x1x8x128xf32>,
    %slice3A_1073 = vector.extract_strided_slice %roll3A {offsets = [56, 1792], sizes = [8, 128], strides = [1, 1]} : vector<64x2048xf32> to vector<8x128xf32>
    %swap3A_1074 = arith.constant 0 : index
    %swap3A_1075 = arith.constant 7 : index
    %swap3A_1076 = arith.constant 14 : index
    %swap3A_1077 = arith.constant 0 : index
    %swap3A_1078 = arith.constant 0 : index
    %swap3A_1079 = vector.load %arg2[%swap3A_1074, %swap3A_1075, %swap3A_1076, %swap3A_1077, %swap3A_1078] : memref<1x8x15x8x128xf32, #tpu.memory_space<vmem>>, vector<1x1x1x8x128xf32>
    %swap3A_1080 = vector.shape_cast %swap3A_1079 : vector<1x1x1x8x128xf32> to vector<8x128xf32>
    %swap3A_1081 = vector.shape_cast %slice3A_1073 : vector<8x128xf32> to vector<1x1x1x8x128xf32>
    tpu.vector_store %arg2[%swap3A_1074, %swap3A_1075, %swap3A_1076, %swap3A_1077, %swap3A_1078], %swap3A_1081 {strides = array<i32>} : memref<1x8x15x8x128xf32, #tpu.memory_space<vmem>>, vector<1x1x1x8x128xf32>,
    return
  }
  func.func @transform_0(%arg0: i32) -> (i32, i32) {
    %c0_i32 = arith.constant 0 : i32
    %c0_i32_0 = arith.constant 0 : i32
    %c0_i32_1 = arith.constant 0 : i32
    return %c0_i32, %c0_i32_0 : i32, i32
  }
  func.func @transform_1(%arg0: i32) -> (i32, i32, i32, i32, i32) {
    %c0_i32 = arith.constant 0 : i32
    %c0_i32_0 = arith.constant 0 : i32
    %c0_i32_1 = arith.constant 0 : i32
    %c0_i32_2 = arith.constant 0 : i32
    %c0_i32_3 = arith.constant 0 : i32
    return %arg0, %c0_i32, %c0_i32_0, %c0_i32_1, %c0_i32_2 : i32, i32, i32, i32, i32
  }
}

</mosaic_0001>

<sc_bundles>
// kernel: kernel.4.cloned.1.call-start
scs
__scs_entry_jumppad:
0x0: {  	(pc) =	sbr.rel $0x88, $3  }
0x1: {  	(tag) =	ssettag $0x0;
	lr =	simm.s32 $0x1  }
0x2: {  	[smem:$0x3FA0] =	sst lr;
	_ =	strace $0xD0000000  }
0x3: {  	_ = 	snop  }
0x4: {  	_ = 	snop  }
0x5: {  	_ = 	snop  }
0x6: {  	_ = 	snop  }
0x7: {  	_ = 	snop  }
__scs_overlays_trampoline_lowered:
0x8: {  	[smem:$0x3FAF] =	sst s0  }
0x9: {  	[smem:$0x3FB0] =	sst s1  }
0xa: {  	[smem:$0x3FB1] =	sst s2  }
0xb: {  	[smem:$0x3FB2] =	sst s3  }
0xc: {  	[smem:$0x3FB3] =	sst s4  }
0xd: {  	[smem:$0x3FB4] =	sst s5  }
0xe: {  	[smem:$0x3FB5] =	sst s6  }
0xf: {  	[smem:$0x3FB6] =	sst s7  }
0x10: {  	[smem:$0x3FB7] =	sst s8  }
0x11: {  	[smem:$0x3FB8] =	sst s9;
	s0 =	simm.s32 @!p0 $0x0  }
0x12: {  	s1 =	sld [smem:$0x3F9E];
	s0 =	simm.s32 @p0 $0x1  }
0x13: {  	[smem:$0x3FB9] =	sst s0;
	s0 =	simm.s32 @!p1 $0x0  }
0x14: {  	s2 =	sld [smem:$0x3F9D];
	s0 =	simm.s32 @p1 $0x1  }
0x15: {  	[smem:$0x3FBA] =	sst s0;
	s0 =	simm.s32 @!p2 $0x0  }
0x16: {  	s3 =	sld [smem:$0x3FDB];
	s0 =	simm.s32 @p2 $0x1  }
0x17: {  	s4 =	simm.s32 $0x1BF5;
	[smem:$0x3FBC] =	sst s0  }
0x18: {  	s0 =	sld [smem:$0x3F9F];
	_ =	swait.ge [sflag:s4], $0x0  }
0x19: {  	s7 =	sld [smem:$0x3FA0]  }
0x1a: {  	s8 =	sadd.s32 $0xFFFFE003, lr  }
0x1b: {  	s9 =	sadd.s32 $0xFFFFFEF7, lr;
	s5 =	simm.s32 $0xFFFFFFFF;
	p2 =	slt.u32 s8, $0xFFFFF086  }
0x1c: {  	p1 =	slt.u32 s9, $0xF7A;
	s5 =	simm.s32 @!p2 $0x0  }
0x1d: {  	s5 =	simm.s32 @p1 $0x1;
	p0 =	seq.s32 s7, s2  }
0x1e: {  	s7 =	smul.u32 @!p0 $0xF7A, s2;
	p2 =	seq.s32 @!p0 s5, $0x0  }
0x1f: {  	s9 =	smul.u32 $0xF7A, s1;
	s8 =	simm.s32 @!p0 $0x1BF5;
	p2 =	por !p2, p0  }
0x20: {  	[sflag:s8] =	ssyncset.s32 @!p0 $0xFFFFF086;
	s6 =	sadd.s32 @!p0 s3, s7;
	s7 =	simm.s32 @!p0 $0x108  }
0x21: {  	s3 =	sadd.s32 s3, s9;
	s6 =	sadd.s32 @!p0 $0x88, s6;
	s7 =	simm.s32 @p2 $0x1082  }
0x22: {  	[simem:s7], [sflag:s8] =	dma.local @!p0 [hbm:s6], $0xF7A  }
0x23: {  	s9 =	sor.u32 $0xD0000000, s2;
	s6 =	simm.s32 $0x108;
	_ =	swait.ge @!p0 [sflag:s8], $0x0  }
0x24: {  	s3 =	sadd.s32 $0x88, s3;
	s6 =	simm.s32 @!p1 $0x1082;
	[sflag:s4] =	ssyncset.s32 $0xFFFFF086  }
0x25: {  	[simem:s6], [sflag:s4] =	dma.local [hbm:s3], $0xF7A  }
0x26: {  	[smem:$0x3FA0] =	sst s1;
	(tag) =	ssettag s2;
	_ =	strace s9  }
0x27: {  	s1 =	sld [smem:$0x3FB0]  }
0x28: {  	s2 =	sld [smem:$0x3FB1]  }
0x29: {  	s4 =	sld [smem:$0x3FB3]  }
0x2a: {  	p0 =	seq.s32 s5, $0x0;
	s5 =	sld [smem:$0x3FB4]  }
0x2b: {  	s6 =	sld [smem:$0x3FB5]  }
0x2c: {  	s7 =	sld [smem:$0x3FB6]  }
0x2d: {  	s3 =	simm.s32 $0x108;
	s8 =	sld [smem:$0x3FB7]  }
0x2e: {  	s3 =	simm.s32 @!p0 $0x1082;
	s9 =	sld [smem:$0x3FB8]  }
0x2f: {  	lr =	sadd.s32 s0, s3;
	s0 =	sld [smem:$0x3FAF]  }
0x30: {  	s3 =	sld [smem:$0x3FB2]  }
0x31: {  	[smem:$0x3FBB] =	sst s10  }
0x32: {  	s10 =	sld [smem:$0x3FB9];
	_ =	sdelay $0x3  }
0x33: {  	p0 =	seq.s32 s10, $0x1;
	s10 =	sld [smem:$0x3FBB];
	_ =	sdelay $0x3  }
0x34: {  	[smem:$0x3FBB] =	sst s10  }
0x35: {  	s10 =	sld [smem:$0x3FBA];
	_ =	sdelay $0x3  }
0x36: {  	p1 =	seq.s32 s10, $0x1;
	s10 =	sld [smem:$0x3FBB];
	_ =	sdelay $0x3  }
0x37: {  	[smem:$0x3FBB] =	sst s10  }
0x38: {  	s10 =	sld [smem:$0x3FBC]  }
0x39: {  	_ = 	snop;
	(pc) =	sbr.ind lr, $3  }
0x3a: {  	_ = 	snop  }
0x3b: {  	_ = 	snop  }
0x3c: {  	p2 =	seq.s32 s10, $0x1;
	s10 =	sld [smem:$0x3FBB]  }
0x3d: {  	_ =	shalt  }
0x3e: {  	_ =	shalt  }
0x3f: {  	_ =	shalt  }
0x40: {  	_ =	shalt  }
0x41: {  	_ =	shalt  }
0x42: {  	_ =	shalt  }
0x43: {  	_ =	shalt  }
0x44: {  	_ =	shalt  }
0x45: {  	_ =	shalt  }
0x46: {  	_ =	shalt  }
0x47: {  	_ =	shalt  }
0x48: {  	_ =	shalt  }
0x49: {  	_ =	shalt  }
0x4a: {  	_ =	shalt  }
0x4b: {  	_ =	shalt  }
0x4c: {  	_ =	shalt  }
0x4d: {  	_ =	shalt  }
0x4e: {  	_ =	shalt  }
0x4f: {  	_ =	shalt  }
0x50: {  	_ =	shalt  }
0x51: {  	_ =	shalt  }
0x52: {  	_ =	shalt  }
0x53: {  	_ =	shalt  }
0x54: {  	_ =	shalt  }
0x55: {  	_ =	shalt  }
0x56: {  	_ =	shalt  }
0x57: {  	_ =	shalt  }
0x58: {  	_ =	shalt  }
0x59: {  	_ =	shalt  }
0x5a: {  	_ =	shalt  }
0x5b: {  	_ =	shalt  }
0x5c: {  	_ =	shalt  }
0x5d: {  	_ =	shalt  }
0x5e: {  	_ =	shalt  }
0x5f: {  	_ =	shalt  }
0x60: {  	_ =	shalt  }
0x61: {  	_ =	shalt  }
0x62: {  	_ =	shalt  }
0x63: {  	_ =	shalt  }
0x64: {  	_ =	shalt  }
0x65: {  	_ =	shalt  }
0x66: {  	_ =	shalt  }
0x67: {  	_ =	shalt  }
0x68: {  	_ =	shalt  }
0x69: {  	_ =	shalt  }
0x6a: {  	_ =	shalt  }
0x6b: {  	_ =	shalt  }
0x6c: {  	_ =	shalt  }
0x6d: {  	_ =	shalt  }
0x6e: {  	_ =	shalt  }
0x6f: {  	_ =	shalt  }
0x70: {  	_ =	shalt  }
0x71: {  	_ =	shalt  }
0x72: {  	_ =	shalt  }
0x73: {  	_ =	shalt  }
0x74: {  	_ =	shalt  }
0x75: {  	_ =	shalt  }
0x76: {  	_ =	shalt  }
0x77: {  	_ =	shalt  }
0x78: {  	_ =	shalt  }
0x79: {  	_ =	shalt  }
0x7a: {  	_ =	shalt  }
0x7b: {  	_ =	shalt  }
0x7c: {  	_ =	shalt  }
0x7d: {  	_ =	shalt  }
0x7e: {  	_ =	shalt  }
0x7f: {  	_ =	shalt  }
0x80: {  	_ =	shalt  }
0x81: {  	_ =	shalt  }
0x82: {  	_ =	shalt  }
0x83: {  	_ =	shalt  }
0x84: {  	_ =	shalt  }
0x85: {  	_ =	shalt  }
0x86: {  	_ =	shalt  }
0x87: {  	_ =	shalt  }
.Lfunc_end0:
.L_simem_size_0:
called_computation_lowered:
.L_overlay_start_0:
0x88: {  	s2 =	sld [smem:$0x3FD9]  }
0x89: {  	s3 =	sld [smem:$0x3FFE];
	_ =	sdelay $0x1  }
0x8a: {  	s1 =	srdreg.scid  }
0x8b: {  	s0 =	sand.u32 $0x1, s1  }
0x8c: {  	s17 =	sshll.u32 s0, $0xA;
	s2 =	sadd.s32 s3, s2  }
0x8d: {  	s2 =	sadd.s32 s2, s17  }
0x8e: {  	[smem:$0x3FC7] =	sst s2  }
0x8f: {  	_ = 	snop  }
0x90: {  	s2 =	sld [smem:$0x3FD0];
	(tm) =	ssettm $0x1  }
0x91: {  	s18 =	sld [smem:$0x3FFB];
	_ =	sdelay $0x3  }
0x92: {  	_ =	strace s18  }
0x93: {  	s3 =	sld [smem:$0x3FFC];
	_ =	sdelay $0x3  }
0x94: {  	_ =	strace s3  }
0x95: {  	s3 =	sld [smem:$0x3FFD];
	_ =	sdelay $0x3  }
0x96: {  	_ =	strace s3  }
0x97: {  	_ =	strace $0x8FFFFFFF  }
0x98: {  	s19 =	sld [smem:$0x3FDB];
	_ =	sdelay $0x1  }
0x99: {  	s4 =	simm.s32 $_scs_section_size  }
0x9a: {  	s5 =	simm.s32 $_size__tile_overlayer_lowered;
	s6 =	simm.s32 $_tile_overlayer_lowered  }
0x9b: {  	s22 =	simm.s32 $0x1BFF;
	s21 =	sshll.u32 s6, $0x1;
	s3 =	sadd.s32 s4, s19  }
0x9c: {  	s7 =	simm.s32 $0x0;
	s20 =	sshll.u32 s5, $0x1;
	s5 =	sadd.s32 s21, s3  }
0x9d: {  	[timem:s7], [sflag:s22] =	dma.local [hbm:s5], s20  }
0x9e: {  	_ =	swait.ge [sflag:s22], s20  }
0x9f: {  	s4 =	ssub.s32 $0x0, s20;
	[sflag:s22] =	ssyncset.done $0x0  }
0xa0: {  	[sflag:s22] =	ssyncadd.s32 s4;
	_ =	sdelay $0x1  }
0xa1: {  	s23 =	simm.s32 $0x1B8B  }
0xa2: {  	_ =	swait.ge [sflag:s23], $0x1  }
0xa3: {  	[sflag:s23] =	ssyncset.done $0x0  }
0xa4: {  	s25 =	simm.s32 $0x1B8E;
	s24 =	sld [smem:$0x3FFE];
	[sflag:s23] =	ssyncadd.s32 $0xFFFFFFFF  }
0xa5: {  	s26 =	simm.s32 $execute0_lowered;
	[smem:$0x3FD2] =	sst s25  }
0xa6: {  	s5 =	sshll.u32 s26, $0x1;
	_ =	strace $0x80000046;
	[dreg:$0x1] =	wrdreg $0xFFFFFFFF  }
0xa7: {  	s28 =	simm.s32 $_size_execute0_lowered;
	s3 =	sadd.s32 s3, s5;
	[dreg:$0x0] =	wrdreg $0x0  }
0xa8: {  	s5 =	sshll.u32 s28, $0x1;
	[dreg:$0x2] =	wrdreg s3  }
0xa9: {  	[dreg:$0x3] =	wrdreg s5  }
0xaa: {  	[dreg:$0x4] =	wrdreg $0xC0  }
0xab: {  	_ =	task [dreg:s7], $0x5FFFF  }
0xac: {  	[dreg:$0x1] =	wrdreg $0xFFFFFFFF  }
0xad: {  	[dreg:$0x0] =	wrdreg $0x60  }
0xae: {  	[dreg:$0x2] =	wrdreg s24  }
0xaf: {  	[dreg:$0x3] =	wrdreg s2  }
0xb0: {  	[dreg:$0x4] =	wrdreg $0x9  }
0xb1: {  	_ =	task.clear_ibuf [dreg:s7], $0x5FFFF;
	_ =	strace $0x90000046  }
0xb2: {  	s29 =	simm.s32 $0x9;
	_ =	strace $0x80000048  }
0xb3: {  	_ =	swait.ge [sflag:s29], $0x1  }
0xb4: {  	[sflag:s29] =	ssyncadd.s32 $0xFFFFFFFF  }
0xb5: {  	_ =	strace $0x90000048  }
0xb6: {  	_ =	sfence  }
0xb7: {  	s30 =	sld [smem:$0x0];
	_ =	sdelay $0x2  }
0xb8: {  	s31 =	sshll.u32 s1, $0xD;
	s1 =	sshrl.u32 s1, $0x2  }
0xb9: {  	s3 =	sand.u32 $0x4000, s31;
	s1 =	sadd.s32 s1, s30  }
0xba: {  	s0 =	sor.u32 s3, s0;
	s1 =	sshll.u32 s1, $0x11  }
0xbb: {  	s0 =	sor.u32 s1, s0  }
0xbc: {  	s0 =	sadd.s32 $0x8F2B, s0  }
0xbd: {  	[sflag:s0] =	ssyncadd.remote.s32 $0x1  }
0xbe: {  	_ =	sfence.sel $0xFFFF  }
0xbf: {  	[dreg:$0x0] =	wrdreg $0xFFFFFFFF;
	(pc) =	sbr.abs _section_cstart, $3  }
0xc0: {  	[dreg:$0x1] =	wrdreg $0xFFFFFFFF  }
0xc1: {  	_ =	task.clear_ibuf [dreg:s7], $0x2FFFF;
	_ =	strace $0x9FFFFFFF  }
0xc2: {  	(tm) =	ssettm $0x7FFFFFFF  }
0xc3: {  	_ =	shalt  }
tec
execute0_lowered:
.L_overlay_start_1:
0x0: {  	(tag) =	ssettag $0x1  }
0x1: {  	s1 =	srdreg.scid;
	s5 =	rddreg [dreg:$0x0]  }
0x2: {  	s0 =	stileid.u32;
	s2 =	rddreg [dreg:$0x1]  }
0x3: {  	s9 =	simm.s32 $0x1;
	s10 =	simm.s32 $0x0;
	s3 =	sand.u32 $0x1, s1  }
0x4: {  	s6 =	sshll.u32 s0, $0x2;
	s1 =	rddreg [dreg:$0x2];
	s4 =	sshll.u32 s3, $0x6  }
0x5: {  	s7 =	ssub.s32 $0x2, s3;
	s3 =	sor.u32 s6, s4;
	s4 =	simm.s32 $0x0  }
0x6: {  	s31 =	sshrl.u32 s7, $0x1;
	s8 =	smul.u32 $0x3C00, s3;
	[smem:$0x7FF] =	sst s4  }
0x7: {  	s5 =	sadd.s32 $0x400, s5;
	s7 =	ssub.s32 s7, s31;
	_ =	strace $0x80000047  }
0x8: {  	s7 =	smax.u32 s7, $0x1;
	s6 =	sadd.s32 s5, s8;
	s8 =	simm.s32 $0x2  }
.LBB2_1:
0x9: {  	[tilespmem:s4], [sflag:$0x2] =	stream.linear.gather [hbm4b:s6+s4], $0xF000, $0x38;
	[tilespmem:$0x1E000] =	vst v63  }
0xa: {  	s11 =	simm.s32 $0x0  }
.LBB2_2:
0xb: {  	p0 =	seq.s32 s11, $0x7  }
0xc: {  	s12 =	sshrl.u32 s11, $0x1;
	s14 =	sand.u32 $0x1, s11;
	s11 =	sadd.s32 @!p0 $0x1, s11  }
0xd: {  	_ =	swait.ge [sflag:s8], $0xF000;
	s13 =	sshrl.u32 @!p0 s11, $0x1;
	s15 =	sand.u32 @!p0 $0x1, s11  }
0xe: {  	s16 =	sxor.u32 @!p0 $0x1, s14;
	s13 =	sadd.s32 @!p0 s3, s13;
	p1 =	seq.s32 @!p0 s15, $0x1  }
0xf: {  	s15 =	simm.s32 @!p0 $0xF000;
	s13 =	smul.u32 @!p0 $0x1E000, s13;
	p1 =	por !p1, p0  }
0x10: {  	[sflag:s8] =	ssyncset.done $0x0;
	s12 =	sadd.s32 s3, s12;
	s15 =	simm.s32 @p1 $0x0  }
0x11: {  	s21 =	sshll.u32 s14, $0xF;
	s13 =	sadd.s32 @!p0 s15, s13;
	s15 =	smul.u32 @!p0 $0x3C000, s16  }
0x12: {  	[sflag:s8] =	ssyncadd.s32 $0xFFFF1000;
	s12 =	sshll.u32 s12, $0x10;
	s13 =	sshrl.u32 @!p0 s13, $0x3  }
0x13: {  	s16 =	simm.s32 @!p0 $0x0;
	s15 =	sshrl.u32 @!p0 s15, $0x2;
	s13 =	sadd.s32 @!p0 s5, s13  }
0x14: {  	[tilespmem:s15], [sflag:$0x2] =	stream.linear.gather @!p0 [hbm4b:s13+s16], $0xF000, $0x38;
	[tilespmem:$0x1E000] =	vst v63  }
0x15: {  	s13 =	ssub.s32 s21, s12  }
0x16: {  	s14 =	smul.u32 $0x3C000, s14;
	s12 =	sadd.s32 $0x3FF0000, s13  }
0x17: {  	s12 =	sshrl.u32 s12, $0x3  }
0x18: {  	s22 =	sadd.s32 s2, s12;
	s12 =	sshrl.u32 s14, $0x2  }
0x19: {  	[hbm4b:s22+s4] =	stream.linear.scatter [tilespmem:s12], [sflag:$0x1], $0x2000, $0x38;
	[tilespmem:$0x1E000] =	vst v63  }
0x1a: {  	s14 =	sadd.s32 $0x3C00, s12;
	s23 =	sadd.s32 $0x400, s22  }
0x1b: {  	[hbm4b:s23+s4] =	stream.linear.scatter [tilespmem:s14], [sflag:$0x1], $0x2000, $0x38;
	[tilespmem:$0x1E000] =	vst v63  }
0x1c: {  	s28 =	sadd.s32 $0x37F0000, s13;
	s24 =	sadd.s32 $0x7800, s12;
	s25 =	sadd.s32 $0x800, s22  }
0x1d: {  	[hbm4b:s25+s4] =	stream.linear.scatter [tilespmem:s24], [sflag:$0x1], $0x2000, $0x38;
	[tilespmem:$0x1E000] =	vst v63  }
0x1e: {  	s26 =	sadd.s32 $0xB400, s12;
	s15 =	sadd.s32 $0xC00, s22;
	s14 =	sshrl.u32 s28, $0x3  }
0x1f: {  	[hbm4b:s15+s4] =	stream.linear.scatter [tilespmem:s26], [sflag:$0x1], $0x2000, $0x38;
	[tilespmem:$0x1E000] =	vst v63  }
0x20: {  	s29 =	sor.u32 $0x400, s12;
	s14 =	sadd.s32 s2, s14  }
0x21: {  	[hbm4b:s14+s4] =	stream.linear.scatter [tilespmem:s29], [sflag:$0x1], $0x2000, $0x38;
	[tilespmem:$0x1E000] =	vst v63  }
0x22: {  	s30 =	sadd.s32 $0x4000, s12;
	s31 =	sadd.s32 $0x400, s14  }
0x23: {  	[hbm4b:s31+s4] =	stream.linear.scatter [tilespmem:s30], [sflag:$0x1], $0x2000, $0x38;
	[tilespmem:$0x1E000] =	vst v63  }
0x24: {  	s17 =	sadd.s32 $0x7C00, s12;
	s18 =	sadd.s32 $0x800, s14  }
0x25: {  	[hbm4b:s18+s4] =	stream.linear.scatter [tilespmem:s17], [sflag:$0x1], $0x2000, $0x38;
	[tilespmem:$0x1E000] =	vst v63  }
0x26: {  	s20 =	sadd.s32 $0x2FF0000, s13;
	s19 =	sadd.s32 $0xB800, s12;
	s14 =	sadd.s32 $0xC00, s14  }
0x27: {  	[hbm4b:s14+s4] =	stream.linear.scatter [tilespmem:s19], [sflag:$0x1], $0x2000, $0x38;
	[tilespmem:$0x1E000] =	vst v63  }
0x28: {  	s14 =	sshrl.u32 s20, $0x3  }
0x29: {  	s21 =	sor.u32 $0x800, s12;
	s14 =	sadd.s32 s2, s14  }
0x2a: {  	[hbm4b:s14+s4] =	stream.linear.scatter [tilespmem:s21], [sflag:$0x1], $0x2000, $0x38;
	[tilespmem:$0x1E000] =	vst v63  }
0x2b: {  	s22 =	sadd.s32 $0x4400, s12;
	s23 =	sadd.s32 $0x400, s14  }
0x2c: {  	[hbm4b:s23+s4] =	stream.linear.scatter [tilespmem:s22], [sflag:$0x1], $0x2000, $0x38;
	[tilespmem:$0x1E000] =	vst v63  }
0x2d: {  	s24 =	sadd.s32 $0x8000, s12;
	s25 =	sadd.s32 $0x800, s14  }
0x2e: {  	[hbm4b:s25+s4] =	stream.linear.scatter [tilespmem:s24], [sflag:$0x1], $0x2000, $0x38;
	[tilespmem:$0x1E000] =	vst v63  }
0x2f: {  	s28 =	sadd.s32 $0x27F0000, s13;
	s26 =	sadd.s32 $0xBC00, s12;
	s14 =	sadd.s32 $0xC00, s14  }
0x30: {  	[hbm4b:s14+s4] =	stream.linear.scatter [tilespmem:s26], [sflag:$0x1], $0x2000, $0x38;
	[tilespmem:$0x1E000] =	vst v63  }
0x31: {  	s14 =	sshrl.u32 s28, $0x3  }
0x32: {  	s29 =	sor.u32 $0xC00, s12;
	s14 =	sadd.s32 s2, s14  }
0x33: {  	[hbm4b:s14+s4] =	stream.linear.scatter [tilespmem:s29], [sflag:$0x1], $0x2000, $0x38;
	[tilespmem:$0x1E000] =	vst v63  }
0x34: {  	s30 =	sadd.s32 $0x4800, s12;
	s31 =	sadd.s32 $0x400, s14  }
0x35: {  	[hbm4b:s31+s4] =	stream.linear.scatter [tilespmem:s30], [sflag:$0x1], $0x2000, $0x38;
	[tilespmem:$0x1E000] =	vst v63  }
0x36: {  	s17 =	sadd.s32 $0x8400, s12;
	s18 =	sadd.s32 $0x800, s14  }
0x37: {  	[hbm4b:s18+s4] =	stream.linear.scatter [tilespmem:s17], [sflag:$0x1], $0x2000, $0x38;
	[tilespmem:$0x1E000] =	vst v63  }
0x38: {  	s19 =	sadd.s32 $0xC000, s12;
	s20 =	sadd.s32 $0x1FF0000, s13;
	s14 =	sadd.s32 $0xC00, s14  }
0x39: {  	[hbm4b:s14+s4] =	stream.linear.scatter [tilespmem:s19], [sflag:$0x1], $0x2000, $0x38;
	[tilespmem:$0x1E000] =	vst v63  }
0x3a: {  	s14 =	sshrl.u32 s20, $0x3  }
0x3b: {  	s21 =	sadd.s32 $0x1000, s12;
	s14 =	sadd.s32 s2, s14  }
0x3c: {  	[hbm4b:s14+s4] =	stream.linear.scatter [tilespmem:s21], [sflag:$0x1], $0x2000, $0x38;
	[tilespmem:$0x1E000] =	vst v63  }
0x3d: {  	s22 =	sadd.s32 $0x4C00, s12;
	s23 =	sadd.s32 $0x400, s14  }
0x3e: {  	[hbm4b:s23+s4] =	stream.linear.scatter [tilespmem:s22], [sflag:$0x1], $0x2000, $0x38;
	[tilespmem:$0x1E000] =	vst v63  }
0x3f: {  	s24 =	sadd.s32 $0x8800, s12;
	s25 =	sadd.s32 $0x800, s14  }
0x40: {  	[hbm4b:s25+s4] =	stream.linear.scatter [tilespmem:s24], [sflag:$0x1], $0x2000, $0x38;
	[tilespmem:$0x1E000] =	vst v63  }
0x41: {  	s26 =	sadd.s32 $0xC400, s12;
	s28 =	sadd.s32 $0x17F0000, s13;
	s14 =	sadd.s32 $0xC00, s14  }
0x42: {  	[hbm4b:s14+s4] =	stream.linear.scatter [tilespmem:s26], [sflag:$0x1], $0x2000, $0x38;
	[tilespmem:$0x1E000] =	vst v63  }
0x43: {  	s14 =	sshrl.u32 s28, $0x3  }
0x44: {  	s29 =	sadd.s32 $0x1400, s12;
	s14 =	sadd.s32 s2, s14  }
0x45: {  	[hbm4b:s14+s4] =	stream.linear.scatter [tilespmem:s29], [sflag:$0x1], $0x2000, $0x38;
	[tilespmem:$0x1E000] =	vst v63  }
0x46: {  	s30 =	sadd.s32 $0x5000, s12;
	s31 =	sadd.s32 $0x400, s14  }
0x47: {  	[hbm4b:s31+s4] =	stream.linear.scatter [tilespmem:s30], [sflag:$0x1], $0x2000, $0x38;
	[tilespmem:$0x1E000] =	vst v63  }
0x48: {  	s16 =	sadd.s32 $0x8C00, s12;
	s17 =	sadd.s32 $0x800, s14  }
0x49: {  	[hbm4b:s17+s4] =	stream.linear.scatter [tilespmem:s16], [sflag:$0x1], $0x2000, $0x38;
	[tilespmem:$0x1E000] =	vst v63  }
0x4a: {  	s18 =	sadd.s32 $0xC800, s12;
	s19 =	sadd.s32 $0xFF0000, s13;
	s14 =	sadd.s32 $0xC00, s14  }
0x4b: {  	[hbm4b:s14+s4] =	stream.linear.scatter [tilespmem:s18], [sflag:$0x1], $0x2000, $0x38;
	[tilespmem:$0x1E000] =	vst v63  }
0x4c: {  	s14 =	sshrl.u32 s19, $0x3  }
0x4d: {  	s20 =	sadd.s32 $0x1800, s12;
	s14 =	sadd.s32 s2, s14  }
0x4e: {  	[hbm4b:s14+s4] =	stream.linear.scatter [tilespmem:s20], [sflag:$0x1], $0x2000, $0x38;
	[tilespmem:$0x1E000] =	vst v63  }
0x4f: {  	s21 =	sadd.s32 $0x5400, s12;
	s22 =	sadd.s32 $0x400, s14  }
0x50: {  	[hbm4b:s22+s4] =	stream.linear.scatter [tilespmem:s21], [sflag:$0x1], $0x2000, $0x38;
	[tilespmem:$0x1E000] =	vst v63  }
0x51: {  	s13 =	sadd.s32 $0x7F0000, s13;
	s23 =	sadd.s32 $0x9000, s12;
	s24 =	sadd.s32 $0x800, s14  }
0x52: {  	[hbm4b:s24+s4] =	stream.linear.scatter [tilespmem:s23], [sflag:$0x1], $0x2000, $0x38;
	[tilespmem:$0x1E000] =	vst v63  }
0x53: {  	s13 =	sshrl.u32 s13, $0x3;
	s25 =	sadd.s32 $0xCC00, s12;
	s14 =	sadd.s32 $0xC00, s14  }
0x54: {  	[hbm4b:s14+s4] =	stream.linear.scatter [tilespmem:s25], [sflag:$0x1], $0x2000, $0x38;
	[tilespmem:$0x1E000] =	vst v63  }
0x55: {  	s13 =	sadd.s32 s2, s13;
	s26 =	sadd.s32 $0x1C00, s12  }
0x56: {  	[hbm4b:s13+s4] =	stream.linear.scatter [tilespmem:s26], [sflag:$0x1], $0x2000, $0x38;
	[tilespmem:$0x1E000] =	vst v63  }
0x57: {  	s28 =	sadd.s32 $0x5800, s12;
	s29 =	sadd.s32 $0x400, s13  }
0x58: {  	[hbm4b:s29+s4] =	stream.linear.scatter [tilespmem:s28], [sflag:$0x1], $0x2000, $0x38;
	[tilespmem:$0x1E000] =	vst v63  }
0x59: {  	s30 =	sadd.s32 $0x9400, s12;
	s31 =	sadd.s32 $0x800, s13  }
0x5a: {  	[hbm4b:s31+s4] =	stream.linear.scatter [tilespmem:s30], [sflag:$0x1], $0x2000, $0x38;
	[tilespmem:$0x1E000] =	vst v63  }
0x5b: {  	s12 =	sadd.s32 $0xD000, s12;
	s13 =	sadd.s32 $0xC00, s13  }
0x5c: {  	[hbm4b:s13+s4] =	stream.linear.scatter [tilespmem:s12], [sflag:$0x1], $0x2000, $0x38;
	[tilespmem:$0x1E000] =	vst v63  }
0x5d: {  	_ =	swait.ge [sflag:s9], $0x8000  }
0x5e: {  	[sflag:s9] =	ssyncset.done $0x0  }
0x5f: {  	[sflag:s9] =	ssyncadd.s32 $0xFFFF8000  }
0x60: {  	_ =	swait.ge [sflag:s9], $0x8000  }
0x61: {  	[sflag:s9] =	ssyncset.done $0x0  }
0x62: {  	[sflag:s9] =	ssyncadd.s32 $0xFFFF8000  }
0x63: {  	_ =	swait.ge [sflag:s9], $0x8000  }
0x64: {  	[sflag:s9] =	ssyncset.done $0x0  }
0x65: {  	[sflag:s9] =	ssyncadd.s32 $0xFFFF8000  }
0x66: {  	_ =	swait.ge [sflag:s9], $0x8000  }
0x67: {  	[sflag:s9] =	ssyncset.done $0x0  }
0x68: {  	[sflag:s9] =	ssyncadd.s32 $0xFFFF8000  }
0x69: {  	_ =	swait.ge [sflag:s9], $0x8000  }
0x6a: {  	[sflag:s9] =	ssyncset.done $0x0  }
0x6b: {  	[sflag:s9] =	ssyncadd.s32 $0xFFFF8000  }
0x6c: {  	_ =	swait.ge [sflag:s9], $0x8000  }
0x6d: {  	[sflag:s9] =	ssyncset.done $0x0  }
0x6e: {  	s11 =	simm.s32 @p0 $0x8;
	[sflag:s9] =	ssyncadd.s32 $0xFFFF8000  }
0x6f: {  	p0 =	sne.s32 s11, $0x8;
	_ =	swait.ge [sflag:s9], $0x8000  }
.Ltmp0:
0x70: {  	[sflag:s9] =	ssyncset.done $0x0;
	(pc) =	sbr.rel @p0 .LBB2_2-.Ltmp0, $4  }
0x71: {  	[sflag:s9] =	ssyncadd.s32 $0xFFFF8000  }
0x72: {  	_ =	swait.ge [sflag:s9], $0x8000  }
0x73: {  	[sflag:s9] =	ssyncset.done $0x0  }
0x74: {  	[sflag:s9] =	ssyncadd.s32 $0xFFFF8000  }
0x75: {  	s10 =	sadd.s32 $0x1, s10  }
0x76: {  	p0 =	sne.s32 s10, s7  }
.Ltmp1:
0x77: {  	_ = 	snop;
	(pc) =	sbr.rel @p0 .LBB2_1-.Ltmp1, $1  }
0x78: {  	_ =	sdelay $0x3  }
0x79: {  	_ =	sfence.sel $0x180000  }
0x7a: {  	[bflag:$0x0] =	sbarrier.arrive $0xFFFF  }
0x7b: {  	p0 =	sne.s32 s0, $0x0;
	_ =	strace $0x90000047  }
0x7c: {  	s0 =	sadd.s32 @!p0 $0x100000, s1;
	[bflag:$0x2] =	sbarrier.arrive $0xFFFF  }
0x7d: {  	[sflag:s0] =	ssyncadd.tile.s32 @!p0 $0x1;
	_ =	shalt  }
.Lfunc_end2:
_tile_overlayer_lowered:
.L_overlay_start_2:
0x7e: {  	(tag) =	ssettag $0x2  }
0x7f: {  	s0 =	rddreg [dreg:$0x0];
	s2 =	stileid.u32  }
0x80: {  	s1 =	rddreg [dreg:$0x1];
	p0 =	sne.s32 s2, $0x0  }
0x81: {  	s3 =	rddreg [dreg:$0x2];
	[bflag:$0x3] =	sbarrier.arrive $0xFFFF;
	s2 =	simm.s32 @!p0 $0x1C03  }
0x82: {  	[timem:s3], [sflag:s2] =	dma.local @!p0 [hbm:s0], s1  }
0x83: {  	s0 =	simm.s32 @!p0 $0x3  }
0x84: {  	_ =	swait.ge @!p0 [sflag:s0], s1  }
0x85: {  	s1 =	ssub.s32 @!p0 $0x0, s1;
	[sflag:s0] =	ssyncset.done @!p0 $0x0  }
0x86: {  	[sflag:s0] =	ssyncadd.s32 @!p0 s1  }
0x87: {  	[bflag:$0x3] =	sbarrier.arrive $0xFFFF  }
0x88: {  	_ =	shalt  }

</sc_bundles>
